<compile_context>
chip_gen: v7x
topology: tpu7x:2x2x1
jax: 0.10.2.dev20260603
libtpu: 0.0.44.dev20260713+nightly
codegen_flags: <defaults>
</compile_context>

<pallas_src>
import functools

import jax
import jax.numpy as jnp
from jax import lax
from jax.experimental import pallas as pl
from jax.experimental.pallas import tpu as pltpu
from jax.experimental.pallas import tpu_sc as plsc

NB = 4096


def _argmin_body(x_ref, w_ref, idx_ref, wt_ref, *, K, voff):
    x = x_ref[0]
    w = w_ref[0]
    xt = jnp.transpose(x)
    xsq = jnp.sum(xt * xt, axis=0, keepdims=True)
    wsq = jnp.transpose(jnp.sum(w * w, axis=0, keepdims=True))
    mm = lax.dot_general(
        w * -2.0, x, (((0,), (1,)), ((), ())),
        preferred_element_type=jnp.float32,
    )
    scores = (xsq + mm) + wsq
    m = jnp.min(scores, axis=0, keepdims=True)
    eqf = jnp.where(scores == m, 1.0, 0.0).astype(jnp.bfloat16)
    iota2 = lax.broadcasted_iota(jnp.int32, (2, K), 1)
    row = lax.broadcasted_iota(jnp.int32, (2, K), 0)
    hilo = jnp.where(row == 0, iota2 >> 8, iota2 & 255).astype(jnp.bfloat16)
    parts = lax.dot_general(
        hilo, eqf, (((1,), (0,)), ((), ())),
        preferred_element_type=jnp.float32,
    )
    idxf = 256.0 * parts[0:1] + parts[1:2]
    idx = jnp.minimum((idxf + 0.5).astype(jnp.int32), K - 1)
    v = pl.program_id(0)
    idx_ref[0] = idx + (v + voff) * K

    @pl.when(pl.program_id(1) == 0)
    def _():
        wt_ref[0] = jnp.transpose(w)


def _compute_indices(inputs, embeddings, voff, vcnt):
    _, N, D = inputs.shape
    K = embeddings.shape[2]
    nblks = N // NB
    idx3, wt = pl.pallas_call(
        functools.partial(_argmin_body, K=K, voff=voff),
        grid=(vcnt, nblks),
        in_specs=[
            pl.BlockSpec((1, NB, D), lambda v, nb: (v + voff, nb, 0)),
            pl.BlockSpec((1, D, K), lambda v, nb: (v + voff, 0, 0)),
        ],
        out_specs=[
            pl.BlockSpec((1, 1, NB), lambda v, nb: (v * (N // NB) + nb, 0, 0)),
            pl.BlockSpec((1, K, D), lambda v, nb: (v, 0, 0)),
        ],
        out_shape=[
            jax.ShapeDtypeStruct((vcnt * nblks, 1, NB), jnp.int32),
            jax.ShapeDtypeStruct((vcnt, K, D), jnp.float32),
        ],
    )(inputs, embeddings)
    return idx3.reshape(vcnt * N), wt.reshape(vcnt * K, D)


def _make_sc_gather(B, D):
    info = plsc.get_sparse_core_info()
    nw = info.num_cores * info.num_subcores
    b_per_w = B // nw
    chunk = 128
    nchunks = b_per_w // chunk
    mesh = plsc.VectorSubcoreMesh(core_axis_name="c", subcore_axis_name="s")

    @functools.partial(
        pl.kernel,
        mesh=mesh,
        compiler_params=pltpu.CompilerParams(use_tc_tiling_on_sc=False),
        out_type=jax.ShapeDtypeStruct((B, D), jnp.float32),
        scratch_types=[
            pltpu.VMEM((b_per_w,), jnp.int32),
            pltpu.VMEM((chunk, D), jnp.float32),
            pltpu.VMEM((chunk, D), jnp.float32),
            pltpu.VMEM((chunk, D), jnp.float32),
            pltpu.VMEM((chunk, D), jnp.float32),
            pltpu.SemaphoreType.DMA,
            pltpu.SemaphoreType.DMA,
            pltpu.SemaphoreType.DMA,
            pltpu.SemaphoreType.DMA,
            pltpu.SemaphoreType.DMA,
            pltpu.SemaphoreType.DMA,
            pltpu.SemaphoreType.DMA,
            pltpu.SemaphoreType.DMA,
        ],
    )
    def gather(table_hbm, idx_hbm, out_hbm, idx_all,
               rows0, rows1, rows2, rows3, g0, g1, g2, g3, o0, o1, o2, o3):
        wid = lax.axis_index("s") * info.num_cores + lax.axis_index("c")
        base = wid * b_per_w
        rows = (rows0, rows1, rows2, rows3)
        gsem = (g0, g1, g2, g3)
        osem = (o0, o1, o2, o3)
        pltpu.sync_copy(idx_hbm.at[pl.ds(base, b_per_w)], idx_all)

        def fire(i, b):
            src = table_hbm.at[idx_all.at[pl.ds(i * chunk, chunk)]]
            return pltpu.async_copy(src, rows[b], gsem[b])

        def gather_done(i, b):
            src = table_hbm.at[idx_all.at[pl.ds(i * chunk, chunk)]]
            pltpu.make_async_copy(src, rows[b], gsem[b]).wait()

        def out_start(i, b):
            pltpu.async_copy(rows[b], out_hbm.at[pl.ds(base + i * chunk, chunk)], osem[b])

        def out_done(i, b):
            pltpu.make_async_copy(
                rows[b], out_hbm.at[pl.ds(base + i * chunk, chunk)], osem[b]
            ).wait()

        fire(0, 0)
        fire(1, 1)
        fire(2, 2)

        def quad(j, carry):
            for b in (0, 1, 2, 3):
                i = 4 * j + b
                nxt = i + 3
                bn = (b + 3) % 4

                @pl.when(nxt < nchunks)
                def _():
                    @pl.when(i >= 1)
                    def _():
                        out_done(i - 1, bn)

                    fire(nxt, bn)

                gather_done(i, b)
                out_start(i, b)
            return carry

        lax.fori_loop(0, nchunks // 4, quad, 0)
        for t in (4, 3, 2, 1):
            out_done(nchunks - t, (nchunks - t) % 4)

    return gather


def kernel(inputs, embeddings):
    V, N, D = inputs.shape
    idx, table = _compute_indices(inputs, embeddings, 0, V)
    out = _make_sc_gather(V * N, D)(table, idx)
    return out.reshape(V, N, D)

# --- scband reference (transcript-rebuilt; emitter-appended) ---
"""Pipeline reference for scband-vector-quantizer-ema-17592186045166 (READ-ONLY COPY).

The authoritative reference and input builder live on the scoring server;
editing this copy changes nothing except your own understanding.
"""

import jax, jax.numpy as jnp
import numpy as np

NUM_VAR = 8
N_TOKENS = 16384
EMBEDDING_DIM = 64
NUM_EMBEDDINGS = 1024
COMMITMENT_COST = 0.25


def setup_inputs(seed: int = 0) -> dict:
    key = jax.random.key(seed)
    k1, k2 = jax.random.split(key)
    inputs = jax.random.normal(k1, (NUM_VAR, N_TOKENS, EMBEDDING_DIM), dtype=jnp.float32)
    # VarianceScaling(distribution='uniform') approx: uniform(-sqrt(3/fan_in), sqrt(3/fan_in))
    limit = float(np.sqrt(3.0 / EMBEDDING_DIM))
    embeddings = jax.random.uniform(
        k2, (NUM_VAR, EMBEDDING_DIM, NUM_EMBEDDINGS),
        minval=-limit, maxval=limit, dtype=jnp.float32)
    return {"inputs": inputs, "embeddings": embeddings}


def reference(inputs, embeddings):
    # inputs: [V, N, D]; embeddings (w): [V, D, K]
    w = embeddings
    distances = (
        jnp.sum(inputs ** 2, axis=2, keepdims=True)
        - 2.0 * jnp.matmul(inputs, w)
        + jnp.sum(w ** 2, axis=1, keepdims=True)
    )  # [V, N, K]
    encoding_indices = jnp.argmin(distances, axis=2)  # [V, N]
    # quantized = gather(w^T, idx, batch_dims=1): [V, K, D] gathered along axis 1
    w_t = jnp.transpose(w, (0, 2, 1))  # [V, K, D]
    quantized = jnp.take_along_axis(w_t, encoding_indices[:, :, None], axis=1)  # [V, N, D]
    # straight-through estimator output (eval path; EMA updates only occur when training)
    output = inputs + jax.lax.stop_gradient(quantized - inputs)
    return output

if __name__ == "__main__":
    import jax
    _d = setup_inputs()
    print(jax.jit(kernel)(*tuple(_d.values())))

</pallas_src>

<mosaic_0001>
#map = affine_map<(d0, d1) -> (0, 0)>
#map1 = affine_map<(d0, d1) -> (0)>
module attributes {stable_mosaic.version = 14 : i64} {
  func.func @gather(%arg0: i32, %arg1: i32, %arg2: memref<8192x64xf32, #tpu.memory_space<hbm>>, %arg3: memref<131072xi32, #tpu.memory_space<hbm>>, %arg4: memref<131072x64xf32, #tpu.memory_space<hbm>>, %arg5: memref<4096xi32, #tpu.memory_space<vmem>>, %arg6: memref<128x64xf32, #tpu.memory_space<vmem>>, %arg7: memref<128x64xf32, #tpu.memory_space<vmem>>, %arg8: memref<128x64xf32, #tpu.memory_space<vmem>>, %arg9: memref<128x64xf32, #tpu.memory_space<vmem>>, %arg10: memref<!tpu.dma_semaphore, #tpu.memory_space<semaphore_mem>>, %arg11: memref<!tpu.dma_semaphore, #tpu.memory_space<semaphore_mem>>, %arg12: memref<!tpu.dma_semaphore, #tpu.memory_space<semaphore_mem>>, %arg13: memref<!tpu.dma_semaphore, #tpu.memory_space<semaphore_mem>>, %arg14: memref<!tpu.dma_semaphore, #tpu.memory_space<semaphore_mem>>, %arg15: memref<!tpu.dma_semaphore, #tpu.memory_space<semaphore_mem>>, %arg16: memref<!tpu.dma_semaphore, #tpu.memory_space<semaphore_mem>>, %arg17: memref<!tpu.dma_semaphore, #tpu.memory_space<semaphore_mem>>) attributes {dimension_semantics = [#tpu.dimension_semantics<core_parallel>, #tpu.dimension_semantics<subcore_parallel>], iteration_bounds = array<i64: 2, 16>, scalar_prefetch = 0 : i64, scratch_operands = 13 : i64, tpu.core_type = #tpu.core_type<sc_vector_subcore>, window_params = [{transform_indices = #map}, {transform_indices = #map1}, {transform_indices = #map}]} {
    %mul3A = arith.constant 2 : i32
    %mul3A_0 = arith.muli %arg1, %mul3A : i32
    %add3A = arith.addi %mul3A_0, %arg0 : i32
    %mul3A_1 = arith.constant 4096 : i32
    %mul3A_2 = arith.muli %add3A, %mul3A_1 : i32
    "tpu.region"() ({
      %run_scoped3A = tpu.sem_alloc : memref<!tpu.dma_semaphore, #tpu.memory_space<semaphore_mem>>
      %dma_start3A_45 = tpu.memref_slice %arg3[%mul3A_2] : memref<131072xi32, #tpu.memory_space<hbm>> -> memref<4096xi32, #tpu.memory_space<hbm>>
      %dma_start3A_46 = tpu.memref_slice %arg3[%mul3A_2] : memref<131072xi32, #tpu.memory_space<hbm>> -> memref<4096xi32, #tpu.memory_space<hbm>>
      tpu.enqueue_dma source(%dma_start3A_46 : memref<4096xi32, #tpu.memory_space<hbm>>) target(%arg5 : memref<4096xi32, #tpu.memory_space<vmem>>) target_semaphore(%run_scoped3A : memref<!tpu.dma_semaphore, #tpu.memory_space<semaphore_mem>>)
      %dma_wait3A_47 = tpu.memref_slice %arg3[%mul3A_2] : memref<131072xi32, #tpu.memory_space<hbm>> -> memref<4096xi32, #tpu.memory_space<hbm>>
      %dma_wait3A_48 = tpu.memref_slice %arg3[%mul3A_2] : memref<131072xi32, #tpu.memory_space<hbm>> -> memref<4096xi32, #tpu.memory_space<hbm>>
      tpu.wait_dma2 semaphore(%run_scoped3A : memref<!tpu.dma_semaphore, #tpu.memory_space<semaphore_mem>>) src(%dma_wait3A_48 : memref<4096xi32, #tpu.memory_space<hbm>>) dst(%arg5 : memref<4096xi32, #tpu.memory_space<vmem>>)
      tpu.yield
    }) : () -> ()
    %dma_start3A = arith.constant 0 : i32
    %dma_start3A_3 = tpu.memref_slice %arg5[%dma_start3A] : memref<4096xi32, #tpu.memory_space<vmem>> -> memref<128xi32, #tpu.memory_space<vmem>>
    %dma_start3A_4 = arith.constant 0 : i32
    %dma_start3A_5 = arith.constant 0 : i32
    %dma_start3A_6 = tpu.memref_slice %arg2[%dma_start3A_4, %dma_start3A_5] : memref<8192x64xf32, #tpu.memory_space<hbm>> -> memref<8192x64xf32, #tpu.memory_space<hbm>>
    tpu.enqueue_indirect_dma source(%dma_start3A_6 : memref<8192x64xf32, #tpu.memory_space<hbm>>) target(%arg6 : memref<128x64xf32, #tpu.memory_space<vmem>>) offsets(%dma_start3A_3 : memref<128xi32, #tpu.memory_space<vmem>>) semaphore(%arg10 : memref<!tpu.dma_semaphore, #tpu.memory_space<semaphore_mem>>)
    %dma_start3A_7 = arith.constant 128 : i32
    %dma_start3A_8 = tpu.memref_slice %arg5[%dma_start3A_7] : memref<4096xi32, #tpu.memory_space<vmem>> -> memref<128xi32, #tpu.memory_space<vmem>>
    %dma_start3A_9 = arith.constant 0 : i32
    %dma_start3A_10 = arith.constant 0 : i32
    %dma_start3A_11 = tpu.memref_slice %arg2[%dma_start3A_9, %dma_start3A_10] : memref<8192x64xf32, #tpu.memory_space<hbm>> -> memref<8192x64xf32, #tpu.memory_space<hbm>>
    tpu.enqueue_indirect_dma source(%dma_start3A_11 : memref<8192x64xf32, #tpu.memory_space<hbm>>) target(%arg7 : memref<128x64xf32, #tpu.memory_space<vmem>>) offsets(%dma_start3A_8 : memref<128xi32, #tpu.memory_space<vmem>>) semaphore(%arg11 : memref<!tpu.dma_semaphore, #tpu.memory_space<semaphore_mem>>)
    %dma_start3A_12 = arith.constant 256 : i32
    %dma_start3A_13 = tpu.memref_slice %arg5[%dma_start3A_12] : memref<4096xi32, #tpu.memory_space<vmem>> -> memref<128xi32, #tpu.memory_space<vmem>>
    %dma_start3A_14 = arith.constant 0 : i32
    %dma_start3A_15 = arith.constant 0 : i32
    %dma_start3A_16 = tpu.memref_slice %arg2[%dma_start3A_14, %dma_start3A_15] : memref<8192x64xf32, #tpu.memory_space<hbm>> -> memref<8192x64xf32, #tpu.memory_space<hbm>>
    tpu.enqueue_indirect_dma source(%dma_start3A_16 : memref<8192x64xf32, #tpu.memory_space<hbm>>) target(%arg8 : memref<128x64xf32, #tpu.memory_space<vmem>>) offsets(%dma_start3A_13 : memref<128xi32, #tpu.memory_space<vmem>>) semaphore(%arg12 : memref<!tpu.dma_semaphore, #tpu.memory_space<semaphore_mem>>)
    %scan3A = arith.constant 0 : i32
    %scan3A_17 = arith.constant 0 : i32
    %scan3A_18 = arith.constant 8 : i32
    %scan3A_19 = arith.addi %scan3A_17, %scan3A_18 : i32
    %scan3A_20 = arith.constant 1 : i32
    scf.for %scan3A_45 = %scan3A_17 to %scan3A_19 step %scan3A_20  : i32 {
      %mul3A_46 = arith.constant 4 : i32
      %mul3A_47 = arith.muli %mul3A_46, %scan3A_45 : i32
      %add3A_48 = arith.constant 0 : i32
      %add3A_49 = arith.addi %mul3A_47, %add3A_48 : i32
      %add3A_50 = arith.constant 3 : i32
      %add3A_51 = arith.addi %add3A_49, %add3A_50 : i32
      %lt3A = arith.constant 32 : i32
      %lt3A_52 = arith.cmpi slt, %add3A_51, %lt3A : i32
      %convert_element_type3A = arith.extui %lt3A_52 : i1 to i32
      %cond3A = arith.constant 0 : i32
      %cond3A_53 = arith.cmpi ne, %convert_element_type3A, %cond3A : i32
      scf.if %cond3A_53 {
        %ge3A = arith.constant 1 : i32
        %ge3A_139 = arith.cmpi sge, %add3A_49, %ge3A : i32
        %convert_element_type3A_140 = arith.extui %ge3A_139 : i1 to i32
        %cond3A_141 = arith.constant 0 : i32
        %cond3A_142 = arith.cmpi ne, %convert_element_type3A_140, %cond3A_141 : i32
        scf.if %cond3A_142 {
          %sub3A = arith.constant 1 : i32
          %sub3A_149 = arith.subi %add3A_49, %sub3A : i32
          %mul3A_150 = arith.constant 128 : i32
          %mul3A_151 = arith.muli %sub3A_149, %mul3A_150 : i32
          %add3A_152 = arith.addi %mul3A_2, %mul3A_151 : i32
          %dma_wait3A_153 = arith.constant 0 : i32
          %dma_wait3A_154 = tpu.memref_slice %arg4[%add3A_152, %dma_wait3A_153] : memref<131072x64xf32, #tpu.memory_space<hbm>> -> memref<128x64xf32, #tpu.memory_space<hbm>>
          %dma_wait3A_155 = arith.constant 0 : i32
          %dma_wait3A_156 = tpu.memref_slice %arg4[%add3A_152, %dma_wait3A_155] : memref<131072x64xf32, #tpu.memory_space<hbm>> -> memref<128x64xf32, #tpu.memory_space<hbm>>
          tpu.wait_dma2 semaphore(%arg17 : memref<!tpu.dma_semaphore, #tpu.memory_space<semaphore_mem>>) src(%arg9 : memref<128x64xf32, #tpu.memory_space<vmem>>) dst(%dma_wait3A_156 : memref<128x64xf32, #tpu.memory_space<hbm>>)
        } else {
        }
        %mul3A_143 = arith.constant 128 : i32
        %mul3A_144 = arith.muli %add3A_51, %mul3A_143 : i32
        %dma_start3A_145 = tpu.memref_slice %arg5[%mul3A_144] : memref<4096xi32, #tpu.memory_space<vmem>> -> memref<128xi32, #tpu.memory_space<vmem>>
        %dma_start3A_146 = arith.constant 0 : i32
        %dma_start3A_147 = arith.constant 0 : i32
        %dma_start3A_148 = tpu.memref_slice %arg2[%dma_start3A_146, %dma_start3A_147] : memref<8192x64xf32, #tpu.memory_space<hbm>> -> memref<8192x64xf32, #tpu.memory_space<hbm>>
        tpu.enqueue_indirect_dma source(%dma_start3A_148 : memref<8192x64xf32, #tpu.memory_space<hbm>>) target(%arg9 : memref<128x64xf32, #tpu.memory_space<vmem>>) offsets(%dma_start3A_145 : memref<128xi32, #tpu.memory_space<vmem>>) semaphore(%arg13 : memref<!tpu.dma_semaphore, #tpu.memory_space<semaphore_mem>>)
      } else {
      }
      %mul3A_54 = arith.constant 128 : i32
      %mul3A_55 = arith.muli %add3A_49, %mul3A_54 : i32
      %dma_wait3A_56 = tpu.memref_slice %arg5[%mul3A_55] : memref<4096xi32, #tpu.memory_space<vmem>> -> memref<128xi32, #tpu.memory_space<vmem>>
      %dma_wait3A_57 = arith.constant 0 : i32
      %dma_wait3A_58 = arith.constant 0 : i32
      %dma_wait3A_59 = tpu.memref_slice %arg2[%dma_wait3A_57, %dma_wait3A_58] : memref<8192x64xf32, #tpu.memory_space<hbm>> -> memref<8192x64xf32, #tpu.memory_space<hbm>>
      tpu.wait_indirect_dma semaphore(%arg10 : memref<!tpu.dma_semaphore, #tpu.memory_space<semaphore_mem>>) src(%dma_wait3A_59 : memref<8192x64xf32, #tpu.memory_space<hbm>>) dst(%arg6 : memref<128x64xf32, #tpu.memory_space<vmem>>)
      %mul3A_60 = arith.constant 128 : i32
      %mul3A_61 = arith.muli %add3A_49, %mul3A_60 : i32
      %add3A_62 = arith.addi %mul3A_2, %mul3A_61 : i32
      %dma_start3A_63 = arith.constant 0 : i32
      %dma_start3A_64 = tpu.memref_slice %arg4[%add3A_62, %dma_start3A_63] : memref<131072x64xf32, #tpu.memory_space<hbm>> -> memref<128x64xf32, #tpu.memory_space<hbm>>
      %dma_start3A_65 = arith.constant 0 : i32
      %dma_start3A_66 = tpu.memref_slice %arg4[%add3A_62, %dma_start3A_65] : memref<131072x64xf32, #tpu.memory_space<hbm>> -> memref<128x64xf32, #tpu.memory_space<hbm>>
      tpu.enqueue_dma source(%arg6 : memref<128x64xf32, #tpu.memory_space<vmem>>) target(%dma_start3A_66 : memref<128x64xf32, #tpu.memory_space<hbm>>) target_semaphore(%arg14 : memref<!tpu.dma_semaphore, #tpu.memory_space<semaphore_mem>>)
      %mul3A_67 = arith.constant 4 : i32
      %mul3A_68 = arith.muli %mul3A_67, %scan3A_45 : i32
      %add3A_69 = arith.constant 1 : i32
      %add3A_70 = arith.addi %mul3A_68, %add3A_69 : i32
      %add3A_71 = arith.constant 3 : i32
      %add3A_72 = arith.addi %add3A_70, %add3A_71 : i32
      %lt3A_73 = arith.constant 32 : i32
      %lt3A_74 = arith.cmpi slt, %add3A_72, %lt3A_73 : i32
      %convert_element_type3A_75 = arith.extui %lt3A_74 : i1 to i32
      %cond3A_76 = arith.constant 0 : i32
      %cond3A_77 = arith.cmpi ne, %convert_element_type3A_75, %cond3A_76 : i32
      scf.if %cond3A_77 {
        %ge3A = arith.constant 1 : i32
        %ge3A_139 = arith.cmpi sge, %add3A_70, %ge3A : i32
        %convert_element_type3A_140 = arith.extui %ge3A_139 : i1 to i32
        %cond3A_141 = arith.constant 0 : i32
        %cond3A_142 = arith.cmpi ne, %convert_element_type3A_140, %cond3A_141 : i32
        scf.if %cond3A_142 {
          %sub3A = arith.constant 1 : i32
          %sub3A_149 = arith.subi %add3A_70, %sub3A : i32
          %mul3A_150 = arith.constant 128 : i32
          %mul3A_151 = arith.muli %sub3A_149, %mul3A_150 : i32
          %add3A_152 = arith.addi %mul3A_2, %mul3A_151 : i32
          %dma_wait3A_153 = arith.constant 0 : i32
          %dma_wait3A_154 = tpu.memref_slice %arg4[%add3A_152, %dma_wait3A_153] : memref<131072x64xf32, #tpu.memory_space<hbm>> -> memref<128x64xf32, #tpu.memory_space<hbm>>
          %dma_wait3A_155 = arith.constant 0 : i32
          %dma_wait3A_156 = tpu.memref_slice %arg4[%add3A_152, %dma_wait3A_155] : memref<131072x64xf32, #tpu.memory_space<hbm>> -> memref<128x64xf32, #tpu.memory_space<hbm>>
          tpu.wait_dma2 semaphore(%arg14 : memref<!tpu.dma_semaphore, #tpu.memory_space<semaphore_mem>>) src(%arg6 : memref<128x64xf32, #tpu.memory_space<vmem>>) dst(%dma_wait3A_156 : memref<128x64xf32, #tpu.memory_space<hbm>>)
        } else {
        }
        %mul3A_143 = arith.constant 128 : i32
        %mul3A_144 = arith.muli %add3A_72, %mul3A_143 : i32
        %dma_start3A_145 = tpu.memref_slice %arg5[%mul3A_144] : memref<4096xi32, #tpu.memory_space<vmem>> -> memref<128xi32, #tpu.memory_space<vmem>>
        %dma_start3A_146 = arith.constant 0 : i32
        %dma_start3A_147 = arith.constant 0 : i32
        %dma_start3A_148 = tpu.memref_slice %arg2[%dma_start3A_146, %dma_start3A_147] : memref<8192x64xf32, #tpu.memory_space<hbm>> -> memref<8192x64xf32, #tpu.memory_space<hbm>>
        tpu.enqueue_indirect_dma source(%dma_start3A_148 : memref<8192x64xf32, #tpu.memory_space<hbm>>) target(%arg6 : memref<128x64xf32, #tpu.memory_space<vmem>>) offsets(%dma_start3A_145 : memref<128xi32, #tpu.memory_space<vmem>>) semaphore(%arg10 : memref<!tpu.dma_semaphore, #tpu.memory_space<semaphore_mem>>)
      } else {
      }
      %mul3A_78 = arith.constant 128 : i32
      %mul3A_79 = arith.muli %add3A_70, %mul3A_78 : i32
      %dma_wait3A_80 = tpu.memref_slice %arg5[%mul3A_79] : memref<4096xi32, #tpu.memory_space<vmem>> -> memref<128xi32, #tpu.memory_space<vmem>>
      %dma_wait3A_81 = arith.constant 0 : i32
      %dma_wait3A_82 = arith.constant 0 : i32
      %dma_wait3A_83 = tpu.memref_slice %arg2[%dma_wait3A_81, %dma_wait3A_82] : memref<8192x64xf32, #tpu.memory_space<hbm>> -> memref<8192x64xf32, #tpu.memory_space<hbm>>
      tpu.wait_indirect_dma semaphore(%arg11 : memref<!tpu.dma_semaphore, #tpu.memory_space<semaphore_mem>>) src(%dma_wait3A_83 : memref<8192x64xf32, #tpu.memory_space<hbm>>) dst(%arg7 : memref<128x64xf32, #tpu.memory_space<vmem>>)
      %mul3A_84 = arith.constant 128 : i32
      %mul3A_85 = arith.muli %add3A_70, %mul3A_84 : i32
      %add3A_86 = arith.addi %mul3A_2, %mul3A_85 : i32
      %dma_start3A_87 = arith.constant 0 : i32
      %dma_start3A_88 = tpu.memref_slice %arg4[%add3A_86, %dma_start3A_87] : memref<131072x64xf32, #tpu.memory_space<hbm>> -> memref<128x64xf32, #tpu.memory_space<hbm>>
      %dma_start3A_89 = arith.constant 0 : i32
      %dma_start3A_90 = tpu.memref_slice %arg4[%add3A_86, %dma_start3A_89] : memref<131072x64xf32, #tpu.memory_space<hbm>> -> memref<128x64xf32, #tpu.memory_space<hbm>>
      tpu.enqueue_dma source(%arg7 : memref<128x64xf32, #tpu.memory_space<vmem>>) target(%dma_start3A_90 : memref<128x64xf32, #tpu.memory_space<hbm>>) target_semaphore(%arg15 : memref<!tpu.dma_semaphore, #tpu.memory_space<semaphore_mem>>)
      %mul3A_91 = arith.constant 4 : i32
      %mul3A_92 = arith.muli %mul3A_91, %scan3A_45 : i32
      %add3A_93 = arith.constant 2 : i32
      %add3A_94 = arith.addi %mul3A_92, %add3A_93 : i32
      %add3A_95 = arith.constant 3 : i32
      %add3A_96 = arith.addi %add3A_94, %add3A_95 : i32
      %lt3A_97 = arith.constant 32 : i32
      %lt3A_98 = arith.cmpi slt, %add3A_96, %lt3A_97 : i32
      %convert_element_type3A_99 = arith.extui %lt3A_98 : i1 to i32
      %cond3A_100 = arith.constant 0 : i32
      %cond3A_101 = arith.cmpi ne, %convert_element_type3A_99, %cond3A_100 : i32
      scf.if %cond3A_101 {
        %ge3A = arith.constant 1 : i32
        %ge3A_139 = arith.cmpi sge, %add3A_94, %ge3A : i32
        %convert_element_type3A_140 = arith.extui %ge3A_139 : i1 to i32
        %cond3A_141 = arith.constant 0 : i32
        %cond3A_142 = arith.cmpi ne, %convert_element_type3A_140, %cond3A_141 : i32
        scf.if %cond3A_142 {
          %sub3A = arith.constant 1 : i32
          %sub3A_149 = arith.subi %add3A_94, %sub3A : i32
          %mul3A_150 = arith.constant 128 : i32
          %mul3A_151 = arith.muli %sub3A_149, %mul3A_150 : i32
          %add3A_152 = arith.addi %mul3A_2, %mul3A_151 : i32
          %dma_wait3A_153 = arith.constant 0 : i32
          %dma_wait3A_154 = tpu.memref_slice %arg4[%add3A_152, %dma_wait3A_153] : memref<131072x64xf32, #tpu.memory_space<hbm>> -> memref<128x64xf32, #tpu.memory_space<hbm>>
          %dma_wait3A_155 = arith.constant 0 : i32
          %dma_wait3A_156 = tpu.memref_slice %arg4[%add3A_152, %dma_wait3A_155] : memref<131072x64xf32, #tpu.memory_space<hbm>> -> memref<128x64xf32, #tpu.memory_space<hbm>>
          tpu.wait_dma2 semaphore(%arg15 : memref<!tpu.dma_semaphore, #tpu.memory_space<semaphore_mem>>) src(%arg7 : memref<128x64xf32, #tpu.memory_space<vmem>>) dst(%dma_wait3A_156 : memref<128x64xf32, #tpu.memory_space<hbm>>)
        } else {
        }
        %mul3A_143 = arith.constant 128 : i32
        %mul3A_144 = arith.muli %add3A_96, %mul3A_143 : i32
        %dma_start3A_145 = tpu.memref_slice %arg5[%mul3A_144] : memref<4096xi32, #tpu.memory_space<vmem>> -> memref<128xi32, #tpu.memory_space<vmem>>
        %dma_start3A_146 = arith.constant 0 : i32
        %dma_start3A_147 = arith.constant 0 : i32
        %dma_start3A_148 = tpu.memref_slice %arg2[%dma_start3A_146, %dma_start3A_147] : memref<8192x64xf32, #tpu.memory_space<hbm>> -> memref<8192x64xf32, #tpu.memory_space<hbm>>
        tpu.enqueue_indirect_dma source(%dma_start3A_148 : memref<8192x64xf32, #tpu.memory_space<hbm>>) target(%arg7 : memref<128x64xf32, #tpu.memory_space<vmem>>) offsets(%dma_start3A_145 : memref<128xi32, #tpu.memory_space<vmem>>) semaphore(%arg11 : memref<!tpu.dma_semaphore, #tpu.memory_space<semaphore_mem>>)
      } else {
      }
      %mul3A_102 = arith.constant 128 : i32
      %mul3A_103 = arith.muli %add3A_94, %mul3A_102 : i32
      %dma_wait3A_104 = tpu.memref_slice %arg5[%mul3A_103] : memref<4096xi32, #tpu.memory_space<vmem>> -> memref<128xi32, #tpu.memory_space<vmem>>
      %dma_wait3A_105 = arith.constant 0 : i32
      %dma_wait3A_106 = arith.constant 0 : i32
      %dma_wait3A_107 = tpu.memref_slice %arg2[%dma_wait3A_105, %dma_wait3A_106] : memref<8192x64xf32, #tpu.memory_space<hbm>> -> memref<8192x64xf32, #tpu.memory_space<hbm>>
      tpu.wait_indirect_dma semaphore(%arg12 : memref<!tpu.dma_semaphore, #tpu.memory_space<semaphore_mem>>) src(%dma_wait3A_107 : memref<8192x64xf32, #tpu.memory_space<hbm>>) dst(%arg8 : memref<128x64xf32, #tpu.memory_space<vmem>>)
      %mul3A_108 = arith.constant 128 : i32
      %mul3A_109 = arith.muli %add3A_94, %mul3A_108 : i32
      %add3A_110 = arith.addi %mul3A_2, %mul3A_109 : i32
      %dma_start3A_111 = arith.constant 0 : i32
      %dma_start3A_112 = tpu.memref_slice %arg4[%add3A_110, %dma_start3A_111] : memref<131072x64xf32, #tpu.memory_space<hbm>> -> memref<128x64xf32, #tpu.memory_space<hbm>>
      %dma_start3A_113 = arith.constant 0 : i32
      %dma_start3A_114 = tpu.memref_slice %arg4[%add3A_110, %dma_start3A_113] : memref<131072x64xf32, #tpu.memory_space<hbm>> -> memref<128x64xf32, #tpu.memory_space<hbm>>
      tpu.enqueue_dma source(%arg8 : memref<128x64xf32, #tpu.memory_space<vmem>>) target(%dma_start3A_114 : memref<128x64xf32, #tpu.memory_space<hbm>>) target_semaphore(%arg16 : memref<!tpu.dma_semaphore, #tpu.memory_space<semaphore_mem>>)
      %mul3A_115 = arith.constant 4 : i32
      %mul3A_116 = arith.muli %mul3A_115, %scan3A_45 : i32
      %add3A_117 = arith.constant 3 : i32
      %add3A_118 = arith.addi %mul3A_116, %add3A_117 : i32
      %add3A_119 = arith.constant 3 : i32
      %add3A_120 = arith.addi %add3A_118, %add3A_119 : i32
      %lt3A_121 = arith.constant 32 : i32
      %lt3A_122 = arith.cmpi slt, %add3A_120, %lt3A_121 : i32
      %convert_element_type3A_123 = arith.extui %lt3A_122 : i1 to i32
      %cond3A_124 = arith.constant 0 : i32
      %cond3A_125 = arith.cmpi ne, %convert_element_type3A_123, %cond3A_124 : i32
      scf.if %cond3A_125 {
        %ge3A = arith.constant 1 : i32
        %ge3A_139 = arith.cmpi sge, %add3A_118, %ge3A : i32
        %convert_element_type3A_140 = arith.extui %ge3A_139 : i1 to i32
        %cond3A_141 = arith.constant 0 : i32
        %cond3A_142 = arith.cmpi ne, %convert_element_type3A_140, %cond3A_141 : i32
        scf.if %cond3A_142 {
          %sub3A = arith.constant 1 : i32
          %sub3A_149 = arith.subi %add3A_118, %sub3A : i32
          %mul3A_150 = arith.constant 128 : i32
          %mul3A_151 = arith.muli %sub3A_149, %mul3A_150 : i32
          %add3A_152 = arith.addi %mul3A_2, %mul3A_151 : i32
          %dma_wait3A_153 = arith.constant 0 : i32
          %dma_wait3A_154 = tpu.memref_slice %arg4[%add3A_152, %dma_wait3A_153] : memref<131072x64xf32, #tpu.memory_space<hbm>> -> memref<128x64xf32, #tpu.memory_space<hbm>>
          %dma_wait3A_155 = arith.constant 0 : i32
          %dma_wait3A_156 = tpu.memref_slice %arg4[%add3A_152, %dma_wait3A_155] : memref<131072x64xf32, #tpu.memory_space<hbm>> -> memref<128x64xf32, #tpu.memory_space<hbm>>
          tpu.wait_dma2 semaphore(%arg16 : memref<!tpu.dma_semaphore, #tpu.memory_space<semaphore_mem>>) src(%arg8 : memref<128x64xf32, #tpu.memory_space<vmem>>) dst(%dma_wait3A_156 : memref<128x64xf32, #tpu.memory_space<hbm>>)
        } else {
        }
        %mul3A_143 = arith.constant 128 : i32
        %mul3A_144 = arith.muli %add3A_120, %mul3A_143 : i32
        %dma_start3A_145 = tpu.memref_slice %arg5[%mul3A_144] : memref<4096xi32, #tpu.memory_space<vmem>> -> memref<128xi32, #tpu.memory_space<vmem>>
        %dma_start3A_146 = arith.constant 0 : i32
        %dma_start3A_147 = arith.constant 0 : i32
        %dma_start3A_148 = tpu.memref_slice %arg2[%dma_start3A_146, %dma_start3A_147] : memref<8192x64xf32, #tpu.memory_space<hbm>> -> memref<8192x64xf32, #tpu.memory_space<hbm>>
        tpu.enqueue_indirect_dma source(%dma_start3A_148 : memref<8192x64xf32, #tpu.memory_space<hbm>>) target(%arg8 : memref<128x64xf32, #tpu.memory_space<vmem>>) offsets(%dma_start3A_145 : memref<128xi32, #tpu.memory_space<vmem>>) semaphore(%arg12 : memref<!tpu.dma_semaphore, #tpu.memory_space<semaphore_mem>>)
      } else {
      }
      %mul3A_126 = arith.constant 128 : i32
      %mul3A_127 = arith.muli %add3A_118, %mul3A_126 : i32
      %dma_wait3A_128 = tpu.memref_slice %arg5[%mul3A_127] : memref<4096xi32, #tpu.memory_space<vmem>> -> memref<128xi32, #tpu.memory_space<vmem>>
      %dma_wait3A_129 = arith.constant 0 : i32
      %dma_wait3A_130 = arith.constant 0 : i32
      %dma_wait3A_131 = tpu.memref_slice %arg2[%dma_wait3A_129, %dma_wait3A_130] : memref<8192x64xf32, #tpu.memory_space<hbm>> -> memref<8192x64xf32, #tpu.memory_space<hbm>>
      tpu.wait_indirect_dma semaphore(%arg13 : memref<!tpu.dma_semaphore, #tpu.memory_space<semaphore_mem>>) src(%dma_wait3A_131 : memref<8192x64xf32, #tpu.memory_space<hbm>>) dst(%arg9 : memref<128x64xf32, #tpu.memory_space<vmem>>)
      %mul3A_132 = arith.constant 128 : i32
      %mul3A_133 = arith.muli %add3A_118, %mul3A_132 : i32
      %add3A_134 = arith.addi %mul3A_2, %mul3A_133 : i32
      %dma_start3A_135 = arith.constant 0 : i32
      %dma_start3A_136 = tpu.memref_slice %arg4[%add3A_134, %dma_start3A_135] : memref<131072x64xf32, #tpu.memory_space<hbm>> -> memref<128x64xf32, #tpu.memory_space<hbm>>
      %dma_start3A_137 = arith.constant 0 : i32
      %dma_start3A_138 = tpu.memref_slice %arg4[%add3A_134, %dma_start3A_137] : memref<131072x64xf32, #tpu.memory_space<hbm>> -> memref<128x64xf32, #tpu.memory_space<hbm>>
      tpu.enqueue_dma source(%arg9 : memref<128x64xf32, #tpu.memory_space<vmem>>) target(%dma_start3A_138 : memref<128x64xf32, #tpu.memory_space<hbm>>) target_semaphore(%arg17 : memref<!tpu.dma_semaphore, #tpu.memory_space<semaphore_mem>>)
    }
    %scan3A_21 = arith.constant 8 : i32
    %add3A_22 = arith.constant 3584 : i32
    %add3A_23 = arith.addi %mul3A_2, %add3A_22 : i32
    %dma_wait3A = arith.constant 0 : i32
    %dma_wait3A_24 = tpu.memref_slice %arg4[%add3A_23, %dma_wait3A] : memref<131072x64xf32, #tpu.memory_space<hbm>> -> memref<128x64xf32, #tpu.memory_space<hbm>>
    %dma_wait3A_25 = arith.constant 0 : i32
    %dma_wait3A_26 = tpu.memref_slice %arg4[%add3A_23, %dma_wait3A_25] : memref<131072x64xf32, #tpu.memory_space<hbm>> -> memref<128x64xf32, #tpu.memory_space<hbm>>
    tpu.wait_dma2 semaphore(%arg14 : memref<!tpu.dma_semaphore, #tpu.memory_space<semaphore_mem>>) src(%arg6 : memref<128x64xf32, #tpu.memory_space<vmem>>) dst(%dma_wait3A_26 : memref<128x64xf32, #tpu.memory_space<hbm>>)
    %add3A_27 = arith.constant 3712 : i32
    %add3A_28 = arith.addi %mul3A_2, %add3A_27 : i32
    %dma_wait3A_29 = arith.constant 0 : i32
    %dma_wait3A_30 = tpu.memref_slice %arg4[%add3A_28, %dma_wait3A_29] : memref<131072x64xf32, #tpu.memory_space<hbm>> -> memref<128x64xf32, #tpu.memory_space<hbm>>
    %dma_wait3A_31 = arith.constant 0 : i32
    %dma_wait3A_32 = tpu.memref_slice %arg4[%add3A_28, %dma_wait3A_31] : memref<131072x64xf32, #tpu.memory_space<hbm>> -> memref<128x64xf32, #tpu.memory_space<hbm>>
    tpu.wait_dma2 semaphore(%arg15 : memref<!tpu.dma_semaphore, #tpu.memory_space<semaphore_mem>>) src(%arg7 : memref<128x64xf32, #tpu.memory_space<vmem>>) dst(%dma_wait3A_32 : memref<128x64xf32, #tpu.memory_space<hbm>>)
    %add3A_33 = arith.constant 3840 : i32
    %add3A_34 = arith.addi %mul3A_2, %add3A_33 : i32
    %dma_wait3A_35 = arith.constant 0 : i32
    %dma_wait3A_36 = tpu.memref_slice %arg4[%add3A_34, %dma_wait3A_35] : memref<131072x64xf32, #tpu.memory_space<hbm>> -> memref<128x64xf32, #tpu.memory_space<hbm>>
    %dma_wait3A_37 = arith.constant 0 : i32
    %dma_wait3A_38 = tpu.memref_slice %arg4[%add3A_34, %dma_wait3A_37] : memref<131072x64xf32, #tpu.memory_space<hbm>> -> memref<128x64xf32, #tpu.memory_space<hbm>>
    tpu.wait_dma2 semaphore(%arg16 : memref<!tpu.dma_semaphore, #tpu.memory_space<semaphore_mem>>) src(%arg8 : memref<128x64xf32, #tpu.memory_space<vmem>>) dst(%dma_wait3A_38 : memref<128x64xf32, #tpu.memory_space<hbm>>)
    %add3A_39 = arith.constant 3968 : i32
    %add3A_40 = arith.addi %mul3A_2, %add3A_39 : i32
    %dma_wait3A_41 = arith.constant 0 : i32
    %dma_wait3A_42 = tpu.memref_slice %arg4[%add3A_40, %dma_wait3A_41] : memref<131072x64xf32, #tpu.memory_space<hbm>> -> memref<128x64xf32, #tpu.memory_space<hbm>>
    %dma_wait3A_43 = arith.constant 0 : i32
    %dma_wait3A_44 = tpu.memref_slice %arg4[%add3A_40, %dma_wait3A_43] : memref<131072x64xf32, #tpu.memory_space<hbm>> -> memref<128x64xf32, #tpu.memory_space<hbm>>
    tpu.wait_dma2 semaphore(%arg17 : memref<!tpu.dma_semaphore, #tpu.memory_space<semaphore_mem>>) src(%arg9 : memref<128x64xf32, #tpu.memory_space<vmem>>) dst(%dma_wait3A_44 : memref<128x64xf32, #tpu.memory_space<hbm>>)
    return
  }
}

module attributes {stable_mosaic.version = 14 : i64} {
  func.func @_argmin_body(%arg0: i32, %arg1: i32, %arg2: memref<1x4096x64xf32, #tpu.memory_space<vmem>>, %arg3: memref<1x64x1024xf32, #tpu.memory_space<vmem>>, %arg4: memref<1x1x4096xi32, #tpu.memory_space<vmem>>, %arg5: memref<1x1024x64xf32, #tpu.memory_space<vmem>>) attributes {dimension_semantics = [#tpu.dimension_semantics<arbitrary>, #tpu.dimension_semantics<arbitrary>], iteration_bounds = array<i64: 8, 4>, scalar_prefetch = 0 : i64, scratch_operands = 0 : i64, tpu.core_type = #tpu.core_type<tc>, window_params = [{transform_indices = @transform_0, window_bounds = array<i64: 1, 4096, 64>}, {transform_indices = @transform_1, window_bounds = array<i64: 1, 64, 1024>}, {transform_indices = @transform_2, window_bounds = array<i64: 1, 1, 4096>}, {transform_indices = @transform_3, window_bounds = array<i64: 1, 1024, 64>}]} {
    %get3A = arith.constant 0 : index
    %get3A_0 = arith.constant 0 : index
    %get3A_1 = arith.constant 0 : index
    %get3A_2 = vector.load %arg2[%get3A, %get3A_0, %get3A_1] : memref<1x4096x64xf32, #tpu.memory_space<vmem>>, vector<1x4096x64xf32>
    %get3A_3 = vector.shape_cast %get3A_2 : vector<1x4096x64xf32> to vector<4096x64xf32>
    %get3A_4 = arith.constant 0 : index
    %get3A_5 = arith.constant 0 : index
    %get3A_6 = arith.constant 0 : index
    %get3A_7 = vector.load %arg3[%get3A_4, %get3A_5, %get3A_6] : memref<1x64x1024xf32, #tpu.memory_space<vmem>>, vector<1x64x1024xf32>
    %get3A_8 = vector.shape_cast %get3A_7 : vector<1x64x1024xf32> to vector<64x1024xf32>
    %transpose3A = tpu.transpose %get3A_3, [1, 0] : vector<4096x64xf32> -> vector<64x4096xf32>
    %mul3A = arith.mulf %transpose3A, %transpose3A : vector<64x4096xf32>
    %reduce_sum3A = arith.constant dense<0.000000e+00> : vector<4096xf32>
    %reduce_sum3A_9 = vector.multi_reduction <add>, %mul3A, %reduce_sum3A [0] : vector<64x4096xf32> to vector<4096xf32>
    %broadcast_in_dim3A = vector.shape_cast %reduce_sum3A_9 : vector<4096xf32> to vector<1x4096xf32>
    %mul3A_10 = arith.mulf %get3A_8, %get3A_8 : vector<64x1024xf32>
    %reduce_sum3A_11 = arith.constant dense<0.000000e+00> : vector<1024xf32>
    %reduce_sum3A_12 = vector.multi_reduction <add>, %mul3A_10, %reduce_sum3A_11 [0] : vector<64x1024xf32> to vector<1024xf32>
    %broadcast_in_dim3A_13 = vector.shape_cast %reduce_sum3A_12 : vector<1024xf32> to vector<1x1024xf32>
    %transpose3A_14 = tpu.transpose %broadcast_in_dim3A_13, [1, 0] : vector<1x1024xf32> -> vector<1024x1xf32>
    %mul3A_15 = arith.constant -2.000000e+00 : f32
    %mul3A_16 = vector.broadcast %mul3A_15 : f32 to vector<64x1024xf32>
    %mul3A_17 = arith.mulf %get3A_8, %mul3A_16 : vector<64x1024xf32>
    %dot_general3A = arith.constant dense<0.000000e+00> : vector<1024x4096xf32>
    %dot_general3A_18 = tpu.matmul %mul3A_17, %get3A_3, %dot_general3A {dimension_numbers = #tpu.dot_dimension_numbers<[0], [1], [1], [0], [0, 1, 1, 0], [], []>, transpose_lhs_hint = false} : vector<64x1024xf32>, vector<4096x64xf32>, vector<1024x4096xf32> -> vector<1024x4096xf32>
    %add3A = vector.broadcast %broadcast_in_dim3A : vector<1x4096xf32> to vector<1024x4096xf32>
    %add3A_19 = arith.addf %add3A, %dot_general3A_18 : vector<1024x4096xf32>
    %add3A_20 = vector.broadcast %transpose3A_14 : vector<1024x1xf32> to vector<1024x4096xf32>
    %add3A_21 = arith.addf %add3A_19, %add3A_20 : vector<1024x4096xf32>
    %reduce_min3A = arith.constant dense<0x7F800000> : vector<4096xf32>
    %reduce_min3A_22 = vector.multi_reduction <minimumf>, %add3A_21, %reduce_min3A [0] : vector<1024x4096xf32> to vector<4096xf32>
    %broadcast_in_dim3A_23 = vector.shape_cast %reduce_min3A_22 : vector<4096xf32> to vector<1x4096xf32>
    %eq3A = vector.broadcast %broadcast_in_dim3A_23 : vector<1x4096xf32> to vector<1024x4096xf32>
    %eq3A_24 = arith.cmpf oeq, %add3A_21, %eq3A : vector<1024x4096xf32>
    %jit3A = arith.constant 1.000000e+00 : f32
    %jit3A_25 = arith.constant 0.000000e+00 : f32
    %broadcast_in_dim3A_26 = vector.broadcast %jit3A : f32 to vector<1024x4096xf32>
    %broadcast_in_dim3A_27 = vector.broadcast %jit3A_25 : f32 to vector<1024x4096xf32>
    %select_n3A = arith.select %eq3A_24, %broadcast_in_dim3A_26, %broadcast_in_dim3A_27 : vector<1024x4096xi1>, vector<1024x4096xf32>
    %convert_element_type3A = arith.truncf %select_n3A : vector<1024x4096xf32> to vector<1024x4096xbf16>
    %iota3A = tpu.iota {dimensions = array<i32: 1>} : vector<2x1024xi32>
    %iota3A_28 = tpu.iota {dimensions = array<i32: 0>} : vector<2x1024xi32>
    %eq3A_29 = arith.constant 0 : i32
    %eq3A_30 = vector.broadcast %eq3A_29 : i32 to vector<2x1024xi32>
    %eq3A_31 = arith.cmpi eq, %iota3A_28, %eq3A_30 : vector<2x1024xi32>
    %shift_right_arithmetic3A = arith.constant 8 : i32
    %shift_right_arithmetic3A_32 = vector.broadcast %shift_right_arithmetic3A : i32 to vector<2x1024xi32>
    %shift_right_arithmetic3A_33 = arith.shrsi %iota3A, %shift_right_arithmetic3A_32 : vector<2x1024xi32>
    %and3A = arith.constant 255 : i32
    %and3A_34 = vector.broadcast %and3A : i32 to vector<2x1024xi32>
    %and3A_35 = arith.andi %iota3A, %and3A_34 : vector<2x1024xi32>
    %select_n3A_36 = arith.select %eq3A_31, %shift_right_arithmetic3A_33, %and3A_35 : vector<2x1024xi1>, vector<2x1024xi32>
    %convert_element_type3A_37 = arith.sitofp %select_n3A_36 : vector<2x1024xi32> to vector<2x1024xbf16>
    %dot_general3A_38 = arith.constant dense<0.000000e+00> : vector<2x4096xf32>
    %dot_general3A_39 = tpu.matmul %convert_element_type3A_37, %convert_element_type3A, %dot_general3A_38 {dimension_numbers = #tpu.dot_dimension_numbers<[1], [0], [0], [1], [0, 0, 1, 1], [], []>, transpose_lhs_hint = false} : vector<2x1024xbf16>, vector<1024x4096xbf16>, vector<2x4096xf32> -> vector<2x4096xf32>
    %slice3A = vector.extract_strided_slice %dot_general3A_39 {offsets = [0, 0], sizes = [1, 4096], strides = [1, 1]} : vector<2x4096xf32> to vector<1x4096xf32>
    %mul3A_40 = arith.constant 2.560000e+02 : f32
    %mul3A_41 = vector.broadcast %mul3A_40 : f32 to vector<1x4096xf32>
    %mul3A_42 = arith.mulf %mul3A_41, %slice3A : vector<1x4096xf32>
    %slice3A_43 = vector.extract_strided_slice %dot_general3A_39 {offsets = [1, 0], sizes = [1, 4096], strides = [1, 1]} : vector<2x4096xf32> to vector<1x4096xf32>
    %add3A_44 = arith.addf %mul3A_42, %slice3A_43 : vector<1x4096xf32>
    %add3A_45 = arith.constant 5.000000e-01 : f32
    %add3A_46 = vector.broadcast %add3A_45 : f32 to vector<1x4096xf32>
    %add3A_47 = arith.addf %add3A_44, %add3A_46 : vector<1x4096xf32>
    %convert_element_type3A_48 = arith.fptosi %add3A_47 : vector<1x4096xf32> to vector<1x4096xi32>
    %min3A = arith.constant 1023 : i32
    %min3A_49 = vector.broadcast %min3A : i32 to vector<1x4096xi32>
    %min3A_50 = arith.minsi %convert_element_type3A_48, %min3A_49 : vector<1x4096xi32>
    %add3A_51 = arith.constant 0 : i32
    %add3A_52 = arith.addi %arg0, %add3A_51 : i32
    %mul3A_53 = arith.constant 1024 : i32
    %mul3A_54 = arith.muli %add3A_52, %mul3A_53 : i32
    %add3A_55 = vector.broadcast %mul3A_54 : i32 to vector<1x4096xi32>
    %add3A_56 = arith.addi %min3A_50, %add3A_55 : vector<1x4096xi32>
    %swap3A = arith.constant 0 : index
    %swap3A_57 = arith.constant 0 : index
    %swap3A_58 = arith.constant 0 : index
    %swap3A_59 = vector.load %arg4[%swap3A, %swap3A_57, %swap3A_58] : memref<1x1x4096xi32, #tpu.memory_space<vmem>>, vector<1x1x4096xi32>
    %swap3A_60 = vector.shape_cast %swap3A_59 : vector<1x1x4096xi32> to vector<1x4096xi32>
    %swap3A_61 = vector.shape_cast %add3A_56 : vector<1x4096xi32> to vector<1x1x4096xi32>
    tpu.vector_store %arg4[%swap3A, %swap3A_57, %swap3A_58], %swap3A_61 {strides = array<i32>} : memref<1x1x4096xi32, #tpu.memory_space<vmem>>, vector<1x1x4096xi32>,
    %eq3A_62 = arith.constant 0 : i32
    %eq3A_63 = arith.cmpi eq, %arg1, %eq3A_62 : i32
    %convert_element_type3A_64 = arith.extui %eq3A_63 : i1 to i32
    %cond3A = arith.constant 0 : i32
    %cond3A_65 = arith.cmpi ne, %convert_element_type3A_64, %cond3A : i32
    scf.if %cond3A_65 {
      %transpose3A_66 = tpu.transpose %get3A_8, [1, 0] : vector<64x1024xf32> -> vector<1024x64xf32>
      %swap3A_67 = arith.constant 0 : index
      %swap3A_68 = arith.constant 0 : index
      %swap3A_69 = arith.constant 0 : index
      %swap3A_70 = vector.load %arg5[%swap3A_67, %swap3A_68, %swap3A_69] : memref<1x1024x64xf32, #tpu.memory_space<vmem>>, vector<1x1024x64xf32>
      %swap3A_71 = vector.shape_cast %swap3A_70 : vector<1x1024x64xf32> to vector<1024x64xf32>
      %swap3A_72 = vector.shape_cast %transpose3A_66 : vector<1024x64xf32> to vector<1x1024x64xf32>
      tpu.vector_store %arg5[%swap3A_67, %swap3A_68, %swap3A_69], %swap3A_72 {strides = array<i32>} : memref<1x1024x64xf32, #tpu.memory_space<vmem>>, vector<1x1024x64xf32>,
    } else {
    }
    return
  }
  func.func @transform_0(%arg0: i32, %arg1: i32) -> (i32, i32, i32) {
    %add3A = arith.constant 0 : i32
    %add3A_0 = arith.addi %arg0, %add3A : i32
    %c0_i32 = arith.constant 0 : i32
    %c0_i32_1 = arith.constant 0 : i32
    return %add3A_0, %arg1, %c0_i32 : i32, i32, i32
  }
  func.func @transform_1(%arg0: i32, %arg1: i32) -> (i32, i32, i32) {
    %add3A = arith.constant 0 : i32
    %add3A_0 = arith.addi %arg0, %add3A : i32
    %c0_i32 = arith.constant 0 : i32
    %c0_i32_1 = arith.constant 0 : i32
    %c0_i32_2 = arith.constant 0 : i32
    return %add3A_0, %c0_i32, %c0_i32_1 : i32, i32, i32
  }
  func.func @transform_2(%arg0: i32, %arg1: i32) -> (i32, i32, i32) {
    %mul3A = arith.constant 4 : i32
    %mul3A_0 = arith.muli %arg0, %mul3A : i32
    %add3A = arith.addi %mul3A_0, %arg1 : i32
    %c0_i32 = arith.constant 0 : i32
    %c0_i32_1 = arith.constant 0 : i32
    %c0_i32_2 = arith.constant 0 : i32
    return %add3A, %c0_i32, %c0_i32_1 : i32, i32, i32
  }
  func.func @transform_3(%arg0: i32, %arg1: i32) -> (i32, i32, i32) {
    %c0_i32 = arith.constant 0 : i32
    %c0_i32_0 = arith.constant 0 : i32
    %c0_i32_1 = arith.constant 0 : i32
    return %arg0, %c0_i32, %c0_i32_0 : i32, i32, i32
  }
}

</mosaic_0001>

<sc_bundles>
// kernel: kernel.4.cloned.1.call-start
scs
__scs_entry_jumppad:
0x0: {  	(pc) =	sbr.rel $0x88, $3  }
0x1: {  	(tag) =	ssettag $0x0;
	lr =	simm.s32 $0x1  }
0x2: {  	[smem:$0x3F9F] =	sst lr;
	_ =	strace $0xD0000000  }
0x3: {  	_ = 	snop  }
0x4: {  	_ = 	snop  }
0x5: {  	_ = 	snop  }
0x6: {  	_ = 	snop  }
0x7: {  	_ = 	snop  }
__scs_overlays_trampoline_lowered:
0x8: {  	[smem:$0x3FAE] =	sst s0  }
0x9: {  	[smem:$0x3FAF] =	sst s1  }
0xa: {  	[smem:$0x3FB0] =	sst s2  }
0xb: {  	[smem:$0x3FB1] =	sst s3  }
0xc: {  	[smem:$0x3FB2] =	sst s4  }
0xd: {  	[smem:$0x3FB3] =	sst s5  }
0xe: {  	[smem:$0x3FB4] =	sst s6  }
0xf: {  	[smem:$0x3FB5] =	sst s7  }
0x10: {  	[smem:$0x3FB6] =	sst s8  }
0x11: {  	[smem:$0x3FB7] =	sst s9;
	s0 =	simm.s32 @!p0 $0x0  }
0x12: {  	s1 =	sld [smem:$0x3F9D];
	s0 =	simm.s32 @p0 $0x1  }
0x13: {  	[smem:$0x3FB8] =	sst s0;
	s0 =	simm.s32 @!p1 $0x0  }
0x14: {  	s2 =	sld [smem:$0x3F9C];
	s0 =	simm.s32 @p1 $0x1  }
0x15: {  	[smem:$0x3FB9] =	sst s0;
	s0 =	simm.s32 @!p2 $0x0  }
0x16: {  	s3 =	sld [smem:$0x3FDB];
	s0 =	simm.s32 @p2 $0x1  }
0x17: {  	s4 =	simm.s32 $0x1BF5;
	[smem:$0x3FBB] =	sst s0  }
0x18: {  	s0 =	sld [smem:$0x3F9E];
	_ =	swait.ge [sflag:s4], $0x0  }
0x19: {  	s7 =	sld [smem:$0x3F9F]  }
0x1a: {  	s8 =	sadd.s32 $0xFFFFE003, lr  }
0x1b: {  	s9 =	sadd.s32 $0xFFFFFEF7, lr;
	s5 =	simm.s32 $0xFFFFFFFF;
	p2 =	slt.u32 s8, $0xFFFFF086  }
0x1c: {  	p1 =	slt.u32 s9, $0xF7A;
	s5 =	simm.s32 @!p2 $0x0  }
0x1d: {  	s5 =	simm.s32 @p1 $0x1;
	p0 =	seq.s32 s7, s2  }
0x1e: {  	s7 =	smul.u32 @!p0 $0xF7A, s2;
	p2 =	seq.s32 @!p0 s5, $0x0  }
0x1f: {  	s9 =	smul.u32 $0xF7A, s1;
	s8 =	simm.s32 @!p0 $0x1BF5;
	p2 =	por !p2, p0  }
0x20: {  	[sflag:s8] =	ssyncset.s32 @!p0 $0xFFFFF086;
	s6 =	sadd.s32 @!p0 s3, s7;
	s7 =	simm.s32 @!p0 $0x108  }
0x21: {  	s3 =	sadd.s32 s3, s9;
	s6 =	sadd.s32 @!p0 $0x88, s6;
	s7 =	simm.s32 @p2 $0x1082  }
0x22: {  	[simem:s7], [sflag:s8] =	dma.local @!p0 [hbm:s6], $0xF7A  }
0x23: {  	s9 =	sor.u32 $0xD0000000, s2;
	s6 =	simm.s32 $0x108;
	_ =	swait.ge @!p0 [sflag:s8], $0x0  }
0x24: {  	s3 =	sadd.s32 $0x88, s3;
	s6 =	simm.s32 @!p1 $0x1082;
	[sflag:s4] =	ssyncset.s32 $0xFFFFF086  }
0x25: {  	[simem:s6], [sflag:s4] =	dma.local [hbm:s3], $0xF7A  }
0x26: {  	[smem:$0x3F9F] =	sst s1;
	(tag) =	ssettag s2;
	_ =	strace s9  }
0x27: {  	s1 =	sld [smem:$0x3FAF]  }
0x28: {  	s2 =	sld [smem:$0x3FB0]  }
0x29: {  	s4 =	sld [smem:$0x3FB2]  }
0x2a: {  	p0 =	seq.s32 s5, $0x0;
	s5 =	sld [smem:$0x3FB3]  }
0x2b: {  	s6 =	sld [smem:$0x3FB4]  }
0x2c: {  	s7 =	sld [smem:$0x3FB5]  }
0x2d: {  	s3 =	simm.s32 $0x108;
	s8 =	sld [smem:$0x3FB6]  }
0x2e: {  	s3 =	simm.s32 @!p0 $0x1082;
	s9 =	sld [smem:$0x3FB7]  }
0x2f: {  	lr =	sadd.s32 s0, s3;
	s0 =	sld [smem:$0x3FAE]  }
0x30: {  	s3 =	sld [smem:$0x3FB1]  }
0x31: {  	[smem:$0x3FBA] =	sst s10  }
0x32: {  	s10 =	sld [smem:$0x3FB8];
	_ =	sdelay $0x3  }
0x33: {  	p0 =	seq.s32 s10, $0x1;
	s10 =	sld [smem:$0x3FBA];
	_ =	sdelay $0x3  }
0x34: {  	[smem:$0x3FBA] =	sst s10  }
0x35: {  	s10 =	sld [smem:$0x3FB9];
	_ =	sdelay $0x3  }
0x36: {  	p1 =	seq.s32 s10, $0x1;
	s10 =	sld [smem:$0x3FBA];
	_ =	sdelay $0x3  }
0x37: {  	[smem:$0x3FBA] =	sst s10  }
0x38: {  	s10 =	sld [smem:$0x3FBB]  }
0x39: {  	_ = 	snop;
	(pc) =	sbr.ind lr, $3  }
0x3a: {  	_ = 	snop  }
0x3b: {  	_ = 	snop  }
0x3c: {  	p2 =	seq.s32 s10, $0x1;
	s10 =	sld [smem:$0x3FBA]  }
0x3d: {  	_ =	shalt  }
0x3e: {  	_ =	shalt  }
0x3f: {  	_ =	shalt  }
0x40: {  	_ =	shalt  }
0x41: {  	_ =	shalt  }
0x42: {  	_ =	shalt  }
0x43: {  	_ =	shalt  }
0x44: {  	_ =	shalt  }
0x45: {  	_ =	shalt  }
0x46: {  	_ =	shalt  }
0x47: {  	_ =	shalt  }
0x48: {  	_ =	shalt  }
0x49: {  	_ =	shalt  }
0x4a: {  	_ =	shalt  }
0x4b: {  	_ =	shalt  }
0x4c: {  	_ =	shalt  }
0x4d: {  	_ =	shalt  }
0x4e: {  	_ =	shalt  }
0x4f: {  	_ =	shalt  }
0x50: {  	_ =	shalt  }
0x51: {  	_ =	shalt  }
0x52: {  	_ =	shalt  }
0x53: {  	_ =	shalt  }
0x54: {  	_ =	shalt  }
0x55: {  	_ =	shalt  }
0x56: {  	_ =	shalt  }
0x57: {  	_ =	shalt  }
0x58: {  	_ =	shalt  }
0x59: {  	_ =	shalt  }
0x5a: {  	_ =	shalt  }
0x5b: {  	_ =	shalt  }
0x5c: {  	_ =	shalt  }
0x5d: {  	_ =	shalt  }
0x5e: {  	_ =	shalt  }
0x5f: {  	_ =	shalt  }
0x60: {  	_ =	shalt  }
0x61: {  	_ =	shalt  }
0x62: {  	_ =	shalt  }
0x63: {  	_ =	shalt  }
0x64: {  	_ =	shalt  }
0x65: {  	_ =	shalt  }
0x66: {  	_ =	shalt  }
0x67: {  	_ =	shalt  }
0x68: {  	_ =	shalt  }
0x69: {  	_ =	shalt  }
0x6a: {  	_ =	shalt  }
0x6b: {  	_ =	shalt  }
0x6c: {  	_ =	shalt  }
0x6d: {  	_ =	shalt  }
0x6e: {  	_ =	shalt  }
0x6f: {  	_ =	shalt  }
0x70: {  	_ =	shalt  }
0x71: {  	_ =	shalt  }
0x72: {  	_ =	shalt  }
0x73: {  	_ =	shalt  }
0x74: {  	_ =	shalt  }
0x75: {  	_ =	shalt  }
0x76: {  	_ =	shalt  }
0x77: {  	_ =	shalt  }
0x78: {  	_ =	shalt  }
0x79: {  	_ =	shalt  }
0x7a: {  	_ =	shalt  }
0x7b: {  	_ =	shalt  }
0x7c: {  	_ =	shalt  }
0x7d: {  	_ =	shalt  }
0x7e: {  	_ =	shalt  }
0x7f: {  	_ =	shalt  }
0x80: {  	_ =	shalt  }
0x81: {  	_ =	shalt  }
0x82: {  	_ =	shalt  }
0x83: {  	_ =	shalt  }
0x84: {  	_ =	shalt  }
0x85: {  	_ =	shalt  }
0x86: {  	_ =	shalt  }
0x87: {  	_ =	shalt  }
.Lfunc_end0:
.L_simem_size_0:
called_computation.1_lowered:
.L_overlay_start_0:
0x88: {  	s2 =	sld [smem:$0x3FD9]  }
0x89: {  	s3 =	sld [smem:$0x3FFE];
	_ =	sdelay $0x1  }
0x8a: {  	s1 =	srdreg.scid  }
0x8b: {  	s0 =	sand.u32 $0x1, s1  }
0x8c: {  	s17 =	sshll.u32 s0, $0xA;
	s2 =	sadd.s32 s3, s2  }
0x8d: {  	s2 =	sadd.s32 s2, s17  }
0x8e: {  	[smem:$0x3FC6] =	sst s2  }
0x8f: {  	_ = 	snop  }
0x90: {  	s2 =	sld [smem:$0x3FD0];
	(tm) =	ssettm $0x1  }
0x91: {  	s18 =	sld [smem:$0x3FFB];
	_ =	sdelay $0x3  }
0x92: {  	_ =	strace s18  }
0x93: {  	s3 =	sld [smem:$0x3FFC];
	_ =	sdelay $0x3  }
0x94: {  	_ =	strace s3  }
0x95: {  	s3 =	sld [smem:$0x3FFD];
	_ =	sdelay $0x3  }
0x96: {  	_ =	strace s3  }
0x97: {  	_ =	strace $0x8FFFFFFF  }
0x98: {  	s19 =	sld [smem:$0x3FDB];
	_ =	sdelay $0x1  }
0x99: {  	s4 =	simm.s32 $_scs_section_size  }
0x9a: {  	s5 =	simm.s32 $_size__tile_overlayer_lowered;
	s6 =	simm.s32 $_tile_overlayer_lowered  }
0x9b: {  	s22 =	simm.s32 $0x1BFF;
	s21 =	sshll.u32 s6, $0x1;
	s3 =	sadd.s32 s4, s19  }
0x9c: {  	s7 =	simm.s32 $0x0;
	s20 =	sshll.u32 s5, $0x1;
	s5 =	sadd.s32 s21, s3  }
0x9d: {  	[timem:s7], [sflag:s22] =	dma.local [hbm:s5], s20  }
0x9e: {  	_ =	swait.ge [sflag:s22], s20  }
0x9f: {  	s4 =	ssub.s32 $0x0, s20;
	[sflag:s22] =	ssyncset.done $0x0  }
0xa0: {  	[sflag:s22] =	ssyncadd.s32 s4;
	_ =	sdelay $0x1  }
0xa1: {  	s23 =	simm.s32 $0x1B8B  }
0xa2: {  	_ =	swait.ge [sflag:s23], $0x1  }
0xa3: {  	[sflag:s23] =	ssyncset.done $0x0  }
0xa4: {  	s25 =	simm.s32 $0x1B8E;
	s24 =	sld [smem:$0x3FFE];
	[sflag:s23] =	ssyncadd.s32 $0xFFFFFFFF  }
0xa5: {  	s26 =	simm.s32 $execute0_lowered;
	[smem:$0x3FD2] =	sst s25  }
0xa6: {  	s5 =	sshll.u32 s26, $0x1;
	_ =	strace $0x80000046;
	[dreg:$0x1] =	wrdreg $0xFFFFFFFF  }
0xa7: {  	s28 =	simm.s32 $_size_execute0_lowered;
	s3 =	sadd.s32 s3, s5;
	[dreg:$0x0] =	wrdreg $0x0  }
0xa8: {  	s5 =	sshll.u32 s28, $0x1;
	[dreg:$0x2] =	wrdreg s3  }
0xa9: {  	[dreg:$0x3] =	wrdreg s5  }
0xaa: {  	[dreg:$0x4] =	wrdreg $0xC0  }
0xab: {  	_ =	task [dreg:s7], $0x5FFFF  }
0xac: {  	[dreg:$0x1] =	wrdreg $0xFFFFFFFF  }
0xad: {  	[dreg:$0x0] =	wrdreg $0x60  }
0xae: {  	[dreg:$0x2] =	wrdreg s24  }
0xaf: {  	[dreg:$0x3] =	wrdreg s2  }
0xb0: {  	[dreg:$0x4] =	wrdreg $0x9  }
0xb1: {  	_ =	task.clear_ibuf [dreg:s7], $0x5FFFF;
	_ =	strace $0x90000046  }
0xb2: {  	s29 =	simm.s32 $0x9;
	_ =	strace $0x80000048  }
0xb3: {  	_ =	swait.ge [sflag:s29], $0x1  }
0xb4: {  	[sflag:s29] =	ssyncadd.s32 $0xFFFFFFFF  }
0xb5: {  	_ =	strace $0x90000048  }
0xb6: {  	_ =	sfence  }
0xb7: {  	s30 =	sld [smem:$0x0];
	_ =	sdelay $0x2  }
0xb8: {  	s31 =	sshll.u32 s1, $0xD;
	s1 =	sshrl.u32 s1, $0x2  }
0xb9: {  	s3 =	sand.u32 $0x4000, s31;
	s1 =	sadd.s32 s1, s30  }
0xba: {  	s0 =	sor.u32 s3, s0;
	s1 =	sshll.u32 s1, $0x11  }
0xbb: {  	s0 =	sor.u32 s1, s0  }
0xbc: {  	s0 =	sadd.s32 $0x8F2B, s0  }
0xbd: {  	[sflag:s0] =	ssyncadd.remote.s32 $0x1  }
0xbe: {  	_ =	sfence.sel $0xFFFF  }
0xbf: {  	[dreg:$0x0] =	wrdreg $0xFFFFFFFF;
	(pc) =	sbr.abs _section_cstart, $3  }
0xc0: {  	[dreg:$0x1] =	wrdreg $0xFFFFFFFF  }
0xc1: {  	_ =	task.clear_ibuf [dreg:s7], $0x2FFFF;
	_ =	strace $0x9FFFFFFF  }
0xc2: {  	(tm) =	ssettm $0x7FFFFFFF  }
0xc3: {  	_ =	shalt  }
tec
execute0_lowered:
.L_overlay_start_1:
0x0: {  	(tag) =	ssettag $0x1  }
0x1: {  	s4 =	rddreg [dreg:$0x0]  }
0x2: {  	s5 =	rddreg [dreg:$0x1]  }
0x3: {  	s2 =	srdreg.scid;
	s0 =	stileid.u32  }
0x4: {  	s10 =	simm.s32 $0x3000;
	s12 =	simm.s32 $0x5000;
	s13 =	simm.s32 $0x7000  }
0x5: {  	s14 =	simm.s32 $0x1;
	s15 =	simm.s32 $0x2;
	s16 =	simm.s32 $0x3  }
0x6: {  	s17 =	simm.s32 $0x4;
	s18 =	simm.s32 $0x5;
	s19 =	simm.s32 $0x6  }
0x7: {  	s20 =	simm.s32 $0x7;
	s21 =	simm.s32 $0x8;
	s22 =	simm.s32 $0x0  }
0x8: {  	s6 =	sand.u32 $0x1, s2;
	s2 =	simm.s32 $0x0;
	s3 =	sshll.u32 s0, $0xD  }
0x9: {  	s8 =	sshll.u32 s0, $0x10;
	s7 =	sshll.u32 s6, $0xC;
	[smem:$0x7FF] =	sst s2  }
0xa: {  	s30 =	ssub.s32 $0x2, s6;
	s5 =	sadd.s32 s8, s5;
	s6 =	sshll.u32 s6, $0xF  }
0xb: {  	s8 =	simm.s32 $0x80;
	s7 =	sor.u32 s7, s3;
	_ =	strace $0x80000047  }
0xc: {  	s3 =	sadd.s32 $0x4E00, s4;
	s6 =	sadd.s32 s6, s5;
	s7 =	sshrl.u32 s7, $0x3  }
0xd: {  	s9 =	sshrl.u32 s30, $0x1;
	s6 =	sadd.s32 $0x800, s6;
	s4 =	sadd.s32 s7, s4  }
0xe: {  	s7 =	ssub.s32 s30, s9;
	s9 =	simm.s32 $0x1000;
	s31 =	sadd.s32 $0xE00, s4  }
0xf: {  	s5 =	smax.u32 s7, $0x1;
	s7 =	simm.s32 $0x9;
	[dreg:$0x3] =	wrdreg s31  }
.LBB2_1:
0x10: {  	s0 =	rddreg [dreg:$0x3]  }
0x11: {  	[tilespmem:s2], [sflag:$0x9] =	stream.linear.gather [hbm4b:s0+s2], $0x1000, $0x38;
	[tilespmem:$0x9000] =	vst v63  }
0x12: {  	_ =	swait.ge [sflag:s7], $0x1000  }
0x13: {  	[sflag:s7] =	ssyncset.done $0x0  }
0x14: {  	[sflag:s7] =	ssyncadd.s32 $0xFFFFF000  }
0x15: {  	[tilespmem:s9], [sflag:$0x1] =	stream.indirect.gather [hbm4b:s3+s8], $0x40, s2, s8, $0xb8;
	[tilespmem:$0x9000] =	vst v63  }
0x16: {  	p0 =	por $0x1, $0x1  }
0x17: {  	[tilespmem:s10], [sflag:$0x2] =	stream.indirect.gather [hbm4b:s3+s8], $0x40, s8, s8, $0xb8;
	[tilespmem:$0x9000] =	vst v63  }
0x18: {  	s26 =	simm.s32 $0x100;
	s23 =	simm.s32 @!p0 $0x8  }
0x19: {  	[tilespmem:s12], [sflag:$0x3] =	stream.indirect.gather [hbm4b:s3+s8], $0x40, s26, s8, $0xb8;
	[tilespmem:$0x9000] =	vst v63  }
0x1a: {  	_ =	swait.ge @!p0 [sflag:s23], $0x2000  }
0x1b: {  	[sflag:s23] =	ssyncset.done @!p0 $0x0  }
0x1c: {  	s24 =	simm.s32 $0x180;
	[sflag:s23] =	ssyncadd.s32 @!p0 $0xFFFFE000  }
0x1d: {  	[tilespmem:s13], [sflag:$0x4] =	stream.indirect.gather [hbm4b:s3+s8], $0x40, s24, s8, $0xb8;
	[tilespmem:$0x9000] =	vst v63  }
0x1e: {  	_ =	swait.ge [sflag:s14], $0x2000  }
0x1f: {  	p0 =	por $0x0, $0x0;
	[sflag:s14] =	ssyncset.done $0x0  }
0x20: {  	s30 =	sadd.s32 $0xFFFFF800, s6;
	s24 =	simm.s32 @!p0 $0x5;
	[sflag:s14] =	ssyncadd.s32 $0xFFFFE000  }
0x21: {  	[hbm4b:s30+s2] =	stream.linear.scatter [tilespmem:s9], [sflag:$0x5], $0x2000, $0x38;
	[tilespmem:$0x9000] =	vst v63  }
0x22: {  	_ =	swait.ge @!p0 [sflag:s24], $0x2000  }
0x23: {  	s23 =	simm.s32 @!p0 $0x200;
	[sflag:s24] =	ssyncset.done @!p0 $0x0  }
0x24: {  	s26 =	simm.s32 @!p0 $0x80;
	s25 =	simm.s32 @!p0 $0x1000;
	[sflag:s24] =	ssyncadd.s32 @!p0 $0xFFFFE000  }
0x25: {  	[tilespmem:s25], [sflag:$0x1] =	stream.indirect.gather @!p0 [hbm4b:s3+s26], $0x40, s23, s26, $0xb8;
	[tilespmem:$0x9000] =	vst v63  }
0x26: {  	_ =	swait.ge [sflag:s15], $0x2000  }
0x27: {  	[sflag:s15] =	ssyncset.done $0x0  }
0x28: {  	s31 =	sadd.s32 $0xFFFFFC00, s6;
	s24 =	simm.s32 @!p0 $0x6;
	[sflag:s15] =	ssyncadd.s32 $0xFFFFE000  }
0x29: {  	[hbm4b:s31+s2] =	stream.linear.scatter [tilespmem:s10], [sflag:$0x6], $0x2000, $0x38;
	[tilespmem:$0x9000] =	vst v63  }
0x2a: {  	_ =	swait.ge @!p0 [sflag:s24], $0x2000  }
0x2b: {  	[sflag:s24] =	ssyncset.done @!p0 $0x0  }
0x2c: {  	s23 =	simm.s32 @!p0 $0x280;
	s25 =	simm.s32 @!p0 $0x3000;
	[sflag:s24] =	ssyncadd.s32 @!p0 $0xFFFFE000  }
0x2d: {  	[tilespmem:s25], [sflag:$0x2] =	stream.indirect.gather @!p0 [hbm4b:s3+s26], $0x40, s23, s26, $0xb8;
	[tilespmem:$0x9000] =	vst v63  }
0x2e: {  	_ =	swait.ge [sflag:s16], $0x2000  }
0x2f: {  	[sflag:s16] =	ssyncset.done $0x0  }
0x30: {  	s23 =	simm.s32 @!p0 $0x7;
	[sflag:s16] =	ssyncadd.s32 $0xFFFFE000  }
0x31: {  	[hbm4b:s6+s2] =	stream.linear.scatter [tilespmem:s12], [sflag:$0x7], $0x2000, $0x38;
	[tilespmem:$0x9000] =	vst v63  }
0x32: {  	_ =	swait.ge @!p0 [sflag:s23], $0x2000  }
0x33: {  	p1 =	por $0x0, $0x0;
	s28 =	simm.s32 @!p0 $0x300;
	[sflag:s23] =	ssyncset.done @!p0 $0x0  }
0x34: {  	s29 =	simm.s32 @!p0 $0x5000;
	s24 =	sadd.s32 $0x1000, s6;
	[sflag:s23] =	ssyncadd.s32 @!p0 $0xFFFFE000  }
0x35: {  	[tilespmem:s29], [sflag:$0x3] =	stream.indirect.gather @!p0 [hbm4b:s3+s26], $0x40, s28, s26, $0xb8;
	[tilespmem:$0x9000] =	vst v63  }
0x36: {  	s25 =	simm.s32 $0x800;
	s23 =	sadd.s32 $0x400, s24;
	s26 =	sadd.s32 $0x400, s6  }
0x37: {  	s28 =	simm.s32 $0x1000;
	s29 =	sadd.s32 $0x1000, s24;
	_ =	swait.ge [sflag:s17], $0x2000  }
.LBB2_2:
0x38: {  	s30 =	simm.s32 @!p1 $0x8  }
0x39: {  	[sflag:s17] =	ssyncset.done $0x0;
	s31 =	smov.u32 s28;
	s28 =	sadd.s32 $0x800, s28  }
0x3a: {  	s0 =	sadd.s32 $0x400, s29;
	p0 =	sne.s32 s28, $0x4000;
	[sflag:s17] =	ssyncadd.s32 $0xFFFFE000  }
0x3b: {  	[hbm4b:s26+s2] =	stream.linear.scatter [tilespmem:s13], [sflag:$0x8], $0x2000, $0x38;
	[tilespmem:$0x9000] =	vst v63  }
0x3c: {  	s1 =	sshra.s32 s25, $0x2;
	s26 =	smov.u32 s23;
	_ =	swait.ge @!p1 [sflag:s30], $0x2000  }
0x3d: {  	s1 =	sadd.s32 $0x180, s1;
	s23 =	smov.u32 s0;
	[sflag:s30] =	ssyncset.done @!p1 $0x0  }
0x3e: {  	[sflag:s30] =	ssyncadd.s32 @!p1 $0xFFFFE000  }
0x3f: {  	[tilespmem:s13], [sflag:$0x4] =	stream.indirect.gather [hbm4b:s3+s8], $0x40, s1, s8, $0xb8;
	[tilespmem:$0x9000] =	vst v63  }
0x40: {  	_ =	swait.ge [sflag:s14], $0x2000  }
0x41: {  	s0 =	sadd.s32 $0xFFFFF800, s24;
	p1 =	seq.s32 s25, $0x3800;
	[sflag:s14] =	ssyncset.done $0x0  }
0x42: {  	s1 =	simm.s32 @!p1 $0x5;
	s25 =	sshra.s32 @!p1 s25, $0x2;
	[sflag:s14] =	ssyncadd.s32 $0xFFFFE000  }
0x43: {  	[hbm4b:s0+s2] =	stream.linear.scatter [tilespmem:s9], [sflag:$0x5], $0x2000, $0x38;
	[tilespmem:$0x9000] =	vst v63  }
0x44: {  	s30 =	sadd.s32 @!p1 $0x280, s25;
	s0 =	sadd.s32 @!p1 $0x200, s25;
	_ =	swait.ge @!p1 [sflag:s1], $0x2000  }
0x45: {  	s11 =	simm.s32 @!p1 $0x80;
	s4 =	simm.s32 @!p1 $0x1000;
	[sflag:s1] =	ssyncset.done @!p1 $0x0  }
0x46: {  	[sflag:s1] =	ssyncadd.s32 @!p1 $0xFFFFE000;
	s1 =	sadd.s32 @!p1 $0x300, s25;
	s25 =	smov.u32 s31  }
0x47: {  	[tilespmem:s4], [sflag:$0x1] =	stream.indirect.gather @!p1 [hbm4b:s3+s11], $0x40, s0, s11, $0xb8;
	[tilespmem:$0x9000] =	vst v63  }
0x48: {  	_ =	swait.ge [sflag:s15], $0x2000  }
0x49: {  	s0 =	sadd.s32 $0xFFFFFC00, s24;
	[sflag:s15] =	ssyncset.done $0x0  }
0x4a: {  	s4 =	simm.s32 @!p1 $0x6;
	[sflag:s15] =	ssyncadd.s32 $0xFFFFE000  }
0x4b: {  	[hbm4b:s0+s2] =	stream.linear.scatter [tilespmem:s10], [sflag:$0x6], $0x2000, $0x38;
	[tilespmem:$0x9000] =	vst v63  }
0x4c: {  	_ =	swait.ge @!p1 [sflag:s4], $0x2000  }
0x4d: {  	s0 =	simm.s32 @!p1 $0x3000;
	[sflag:s4] =	ssyncset.done @!p1 $0x0  }
0x4e: {  	[sflag:s4] =	ssyncadd.s32 @!p1 $0xFFFFE000  }
0x4f: {  	[tilespmem:s0], [sflag:$0x2] =	stream.indirect.gather @!p1 [hbm4b:s3+s11], $0x40, s30, s11, $0xb8;
	[tilespmem:$0x9000] =	vst v63  }
0x50: {  	_ =	swait.ge [sflag:s16], $0x2000  }
0x51: {  	[sflag:s16] =	ssyncset.done $0x0  }
0x52: {  	s0 =	simm.s32 @!p1 $0x7;
	[sflag:s16] =	ssyncadd.s32 $0xFFFFE000  }
0x53: {  	[hbm4b:s24+s2] =	stream.linear.scatter [tilespmem:s12], [sflag:$0x7], $0x2000, $0x38;
	[tilespmem:$0x9000] =	vst v63  }
.Ltmp0:
0x54: {  	s24 =	smov.u32 s29;
	_ =	swait.ge @!p1 [sflag:s0], $0x2000;
	(pc) =	sbr.rel @p0 .LBB2_2-.Ltmp0, $4  }
0x55: {  	s4 =	simm.s32 @!p1 $0x5000;
	[sflag:s0] =	ssyncset.done @!p1 $0x0  }
0x56: {  	[sflag:s0] =	ssyncadd.s32 @!p1 $0xFFFFE000  }
0x57: {  	[tilespmem:s4], [sflag:$0x3] =	stream.indirect.gather @!p1 [hbm4b:s3+s11], $0x40, s1, s11, $0xb8;
	[tilespmem:$0x9000] =	vst v63  }
0x58: {  	s29 =	sadd.s32 $0x1000, s29;
	p1 =	seq.s32 s25, $0x0;
	_ =	swait.ge [sflag:s17], $0x2000  }
0x59: {  	[sflag:s17] =	ssyncset.done $0x0  }
0x5a: {  	s0 =	simm.s32 @!p1 $0x8;
	[sflag:s17] =	ssyncadd.s32 $0xFFFFE000  }
0x5b: {  	[hbm4b:s26+s2] =	stream.linear.scatter [tilespmem:s13], [sflag:$0x8], $0x2000, $0x38;
	[tilespmem:$0x9000] =	vst v63  }
0x5c: {  	_ =	swait.ge @!p1 [sflag:s0], $0x2000  }
0x5d: {  	s1 =	sshra.s32 s25, $0x2;
	[sflag:s0] =	ssyncset.done @!p1 $0x0  }
0x5e: {  	s1 =	sadd.s32 $0x180, s1;
	[sflag:s0] =	ssyncadd.s32 @!p1 $0xFFFFE000  }
0x5f: {  	[tilespmem:s13], [sflag:$0x4] =	stream.indirect.gather [hbm4b:s3+s8], $0x40, s1, s8, $0xb8;
	[tilespmem:$0x9000] =	vst v63  }
0x60: {  	_ =	swait.ge [sflag:s14], $0x2000  }
0x61: {  	p0 =	seq.s32 s25, $0x3800;
	[sflag:s14] =	ssyncset.done $0x0  }
0x62: {  	s30 =	sadd.s32 $0xFFFFF800, s24;
	s1 =	simm.s32 @!p0 $0x5;
	[sflag:s14] =	ssyncadd.s32 $0xFFFFE000  }
0x63: {  	[hbm4b:s30+s2] =	stream.linear.scatter [tilespmem:s9], [sflag:$0x5], $0x2000, $0x38;
	[tilespmem:$0x9000] =	vst v63  }
0x64: {  	_ =	swait.ge @!p0 [sflag:s1], $0x2000  }
0x65: {  	s11 =	simm.s32 @!p0 $0x80;
	s0 =	sshra.s32 @!p0 s25, $0x2;
	[sflag:s1] =	ssyncset.done @!p0 $0x0  }
0x66: {  	s25 =	simm.s32 @!p0 $0x1000;
	s4 =	sadd.s32 @!p0 $0x200, s0;
	[sflag:s1] =	ssyncadd.s32 @!p0 $0xFFFFE000  }
0x67: {  	[tilespmem:s25], [sflag:$0x1] =	stream.indirect.gather @!p0 [hbm4b:s3+s11], $0x40, s4, s11, $0xb8;
	[tilespmem:$0x9000] =	vst v63  }
0x68: {  	_ =	swait.ge [sflag:s15], $0x2000  }
0x69: {  	[sflag:s15] =	ssyncset.done $0x0  }
0x6a: {  	s31 =	sadd.s32 $0xFFFFFC00, s24;
	s4 =	simm.s32 @!p0 $0x6;
	[sflag:s15] =	ssyncadd.s32 $0xFFFFE000  }
0x6b: {  	[hbm4b:s31+s2] =	stream.linear.scatter [tilespmem:s10], [sflag:$0x6], $0x2000, $0x38;
	[tilespmem:$0x9000] =	vst v63  }
0x6c: {  	_ =	swait.ge @!p0 [sflag:s4], $0x2000  }
0x6d: {  	[sflag:s4] =	ssyncset.done @!p0 $0x0  }
0x6e: {  	s1 =	sadd.s32 @!p0 $0x280, s0;
	s25 =	simm.s32 @!p0 $0x3000;
	[sflag:s4] =	ssyncadd.s32 @!p0 $0xFFFFE000  }
0x6f: {  	[tilespmem:s25], [sflag:$0x2] =	stream.indirect.gather @!p0 [hbm4b:s3+s11], $0x40, s1, s11, $0xb8;
	[tilespmem:$0x9000] =	vst v63  }
0x70: {  	_ =	swait.ge [sflag:s16], $0x2000  }
0x71: {  	[sflag:s16] =	ssyncset.done $0x0  }
0x72: {  	s1 =	simm.s32 @!p0 $0x7;
	[sflag:s16] =	ssyncadd.s32 $0xFFFFE000  }
0x73: {  	[hbm4b:s24+s2] =	stream.linear.scatter [tilespmem:s12], [sflag:$0x7], $0x2000, $0x38;
	[tilespmem:$0x9000] =	vst v63  }
0x74: {  	_ =	swait.ge @!p0 [sflag:s1], $0x2000  }
0x75: {  	[sflag:s1] =	ssyncset.done @!p0 $0x0  }
0x76: {  	s0 =	sadd.s32 @!p0 $0x300, s0;
	s4 =	simm.s32 @!p0 $0x5000;
	[sflag:s1] =	ssyncadd.s32 @!p0 $0xFFFFE000  }
0x77: {  	[tilespmem:s4], [sflag:$0x3] =	stream.indirect.gather @!p0 [hbm4b:s3+s11], $0x40, s0, s11, $0xb8;
	[tilespmem:$0x9000] =	vst v63  }
0x78: {  	_ =	swait.ge [sflag:s17], $0x2000  }
0x79: {  	[sflag:s17] =	ssyncset.done $0x0  }
0x7a: {  	[sflag:s17] =	ssyncadd.s32 $0xFFFFE000  }
0x7b: {  	[hbm4b:s23+s2] =	stream.linear.scatter [tilespmem:s13], [sflag:$0x8], $0x2000, $0x38;
	[tilespmem:$0x9000] =	vst v63  }
0x7c: {  	_ =	swait.ge [sflag:s18], $0x2000  }
0x7d: {  	[sflag:s18] =	ssyncset.done $0x0  }
0x7e: {  	[sflag:s18] =	ssyncadd.s32 $0xFFFFE000  }
0x7f: {  	_ =	swait.ge [sflag:s19], $0x2000  }
0x80: {  	[sflag:s19] =	ssyncset.done $0x0  }
0x81: {  	s22 =	sadd.s32 $0x1, s22;
	[sflag:s19] =	ssyncadd.s32 $0xFFFFE000  }
0x82: {  	p0 =	sne.s32 s22, s5;
	_ =	swait.ge [sflag:s20], $0x2000  }
.Ltmp1:
0x83: {  	[sflag:s20] =	ssyncset.done $0x0;
	(pc) =	sbr.rel @p0 .LBB2_1-.Ltmp1, $4  }
0x84: {  	[sflag:s20] =	ssyncadd.s32 $0xFFFFE000  }
0x85: {  	_ =	swait.ge [sflag:s21], $0x2000  }
0x86: {  	[sflag:s21] =	ssyncset.done $0x0  }
0x87: {  	[sflag:s21] =	ssyncadd.s32 $0xFFFFE000  }
0x88: {  	_ =	sfence.sel $0x180000  }
0x89: {  	[bflag:$0x0] =	sbarrier.arrive $0xFFFF  }
0x8a: {  	_ =	strace $0x90000047  }
0x8b: {  	s0 =	stileid.u32;
	[bflag:$0x2] =	sbarrier.arrive $0xFFFF  }
0x8c: {  	p0 =	sne.s32 s0, $0x0;
	s0 =	rddreg [dreg:$0x2]  }
0x8d: {  	s0 =	sadd.s32 @!p0 $0x100000, s0  }
0x8e: {  	[sflag:s0] =	ssyncadd.tile.s32 @!p0 $0x1;
	_ =	shalt  }
.Lfunc_end2:
_tile_overlayer_lowered:
.L_overlay_start_2:
0x8f: {  	(tag) =	ssettag $0x2  }
0x90: {  	s0 =	rddreg [dreg:$0x0];
	s2 =	stileid.u32  }
0x91: {  	s1 =	rddreg [dreg:$0x1];
	p0 =	sne.s32 s2, $0x0  }
0x92: {  	s3 =	rddreg [dreg:$0x2];
	[bflag:$0x3] =	sbarrier.arrive $0xFFFF;
	s2 =	simm.s32 @!p0 $0x1C09  }
0x93: {  	[timem:s3], [sflag:s2] =	dma.local @!p0 [hbm:s0], s1  }
0x94: {  	s0 =	simm.s32 @!p0 $0x9  }
0x95: {  	_ =	swait.ge @!p0 [sflag:s0], s1  }
0x96: {  	s1 =	ssub.s32 @!p0 $0x0, s1;
	[sflag:s0] =	ssyncset.done @!p0 $0x0  }
0x97: {  	[sflag:s0] =	ssyncadd.s32 @!p0 s1  }
0x98: {  	[bflag:$0x3] =	sbarrier.arrive $0xFFFF  }
0x99: {  	_ =	shalt  }

// kernel: sparse-core-data-format-call.cloned.1.call-start
scs
called_computation_lowered:
.L_overlay_start_0:
0x0: {  	s2 =	sld [smem:$0x3FD9]  }
0x1: {  	s3 =	sld [smem:$0x3FFE];
	_ =	sdelay $0x1  }
0x2: {  	s1 =	srdreg.scid  }
0x3: {  	s0 =	sand.u32 $0x1, s1  }
0x4: {  	s18 =	sshll.u32 s0, $0xA;
	s2 =	sadd.s32 s3, s2  }
0x5: {  	s2 =	sadd.s32 s2, s18  }
0x6: {  	[smem:$0x3FC6] =	sst s2  }
0x7: {  	_ = 	snop  }
0x8: {  	s2 =	sld [smem:$0x3FD0];
	(tm) =	ssettm $0x1  }
0x9: {  	s19 =	sld [smem:$0x3FFB];
	_ =	sdelay $0x3  }
0xa: {  	_ =	strace s19  }
0xb: {  	s3 =	sld [smem:$0x3FFC];
	_ =	sdelay $0x3  }
0xc: {  	_ =	strace s3  }
0xd: {  	s3 =	sld [smem:$0x3FFD];
	_ =	sdelay $0x3  }
0xe: {  	_ =	strace s3  }
0xf: {  	_ =	strace $0x8FFFFFFF  }
0x10: {  	s20 =	sld [smem:$0x3FDB];
	_ =	sdelay $0x1  }
0x11: {  	s4 =	simm.s32 $_scs_section_size  }
0x12: {  	s5 =	simm.s32 $_size__tile_overlayer_lowered;
	s6 =	simm.s32 $_tile_overlayer_lowered  }
0x13: {  	s23 =	simm.s32 $0x1BFF;
	s22 =	sshll.u32 s6, $0x1;
	s3 =	sadd.s32 s4, s20  }
0x14: {  	s7 =	simm.s32 $0x0;
	s21 =	sshll.u32 s5, $0x1;
	s5 =	sadd.s32 s22, s3  }
0x15: {  	[timem:s7], [sflag:s23] =	dma.local [hbm:s5], s21  }
0x16: {  	_ =	swait.ge [sflag:s23], s21  }
0x17: {  	s4 =	ssub.s32 $0x0, s21;
	[sflag:s23] =	ssyncset.done $0x0  }
0x18: {  	[sflag:s23] =	ssyncadd.s32 s4;
	_ =	sdelay $0x1  }
0x19: {  	s24 =	simm.s32 $0x1B8B  }
0x1a: {  	_ =	swait.ge [sflag:s24], $0x1  }
0x1b: {  	[sflag:s24] =	ssyncset.done $0x0  }
0x1c: {  	s26 =	simm.s32 $0x1B8E;
	s25 =	sld [smem:$0x3FFE];
	[sflag:s24] =	ssyncadd.s32 $0xFFFFFFFF  }
0x1d: {  	s27 =	simm.s32 $execute0_lowered;
	[smem:$0x3FD2] =	sst s26  }
0x1e: {  	s5 =	sshll.u32 s27, $0x1;
	_ =	strace $0x80000049;
	[dreg:$0x1] =	wrdreg $0xFFFFFFFF  }
0x1f: {  	s28 =	simm.s32 $_size_execute0_lowered;
	s3 =	sadd.s32 s3, s5;
	[dreg:$0x0] =	wrdreg $0x0  }
0x20: {  	s5 =	sshll.u32 s28, $0x1;
	[dreg:$0x2] =	wrdreg s3  }
0x21: {  	[dreg:$0x3] =	wrdreg s5  }
0x22: {  	[dreg:$0x4] =	wrdreg $0xC0  }
0x23: {  	_ =	task [dreg:s7], $0x5FFFF  }
0x24: {  	[dreg:$0x1] =	wrdreg $0xFFFFFFFF  }
0x25: {  	[dreg:$0x0] =	wrdreg $0x60  }
0x26: {  	[dreg:$0x2] =	wrdreg s25  }
0x27: {  	[dreg:$0x3] =	wrdreg s2  }
0x28: {  	[dreg:$0x4] =	wrdreg $0x9  }
0x29: {  	_ =	task.clear_ibuf [dreg:s7], $0x5FFFF;
	_ =	strace $0x90000049  }
0x2a: {  	s29 =	simm.s32 $0x9;
	_ =	strace $0x8000004B  }
0x2b: {  	_ =	swait.ge [sflag:s29], $0x1  }
0x2c: {  	[sflag:s29] =	ssyncadd.s32 $0xFFFFFFFF  }
0x2d: {  	_ =	strace $0x9000004B  }
0x2e: {  	_ =	sfence  }
0x2f: {  	s30 =	sld [smem:$0x0];
	_ =	sdelay $0x2  }
0x30: {  	s31 =	sshll.u32 s1, $0xD;
	s1 =	sshrl.u32 s1, $0x2  }
0x31: {  	s3 =	sand.u32 $0x4000, s31;
	s1 =	sadd.s32 s1, s30  }
0x32: {  	s0 =	sor.u32 s3, s0;
	s1 =	sshll.u32 s1, $0x11  }
0x33: {  	s0 =	sor.u32 s1, s0  }
0x34: {  	s0 =	sadd.s32 $0x8F2B, s0  }
0x35: {  	[sflag:s0] =	ssyncadd.remote.s32 $0x1  }
0x36: {  	_ =	sfence.sel $0xFFFF  }
0x37: {  	[dreg:$0x0] =	wrdreg $0xFFFFFFFF;
	(pc) =	sbr.abs _section_cstart, $3  }
0x38: {  	[dreg:$0x1] =	wrdreg $0xFFFFFFFF  }
0x39: {  	_ =	task.clear_ibuf [dreg:s7], $0x2FFFF;
	_ =	strace $0x9FFFFFFF  }
0x3a: {  	(tm) =	ssettm $0x7FFFFFFF  }
0x3b: {  	_ =	shalt  }
tec
execute0_lowered:
.L_overlay_start_1:
0x0: {  	(tag) =	ssettag $0x1  }
0x1: {  	s8 =	rddreg [dreg:$0x0]  }
0x2: {  	s0 =	stileid.u32;
	s1 =	srdreg.scid  }
0x3: {  	s2 =	rddreg [dreg:$0x1];
	s31 =	simm.s32 $0x2;
	s14 =	simm.s32 $0x0  }
0x4: {  	s15 =	simm.s32 $0x0;
	s13 =	simm.s32 $0x0;
	s3 =	sshll.u32 s0, $0x1  }
0x5: {  	s4 =	sshll.u32 s0, $0x5;
	s1 =	sshll.u32 s1, $0x9;
	s3 =	sand.u32 $0x6, s3  }
0x6: {  	s4 =	sor.u32 s4, s1;
	s1 =	rddreg [dreg:$0x2];
	_ =	strace $0x8000004A  }
0x7: {  	s4 =	sand.u32 $0x380, s4;
	s5 =	ssub.s32 $0x8, s3;
	s12 =	smov.u32 s3  }
0x8: {  	s6 =	sand.u32 $0x6, s5;
	s7 =	ssub.s32 $0x4000, s4;
	s10 =	sshrl.u32 s5, $0x3  }
0x9: {  	p0 =	sne.s32 s6, $0x0;
	s6 =	simm.s32 $0x1;
	s9 =	sand.u32 $0x380, s7  }
0xa: {  	s6 =	simm.s32 @!p0 $0x0;
	p0 =	sne.s32 s9, $0x0;
	s9 =	simm.s32 $0x1  }
.Ltmp0:
0xb: {  	s7 =	sshrl.u32 s7, $0xA;
	s9 =	simm.s32 @!p0 $0x0;
	(pc) =	sbr.rel .LBB1_1-.Ltmp0, $4  }
0xc: {  	s5 =	simm.s32 $0x1;
	s6 =	sadd.s32 s6, s10;
	s7 =	sadd.s32 s9, s7  }
0xd: {  	s11 =	smov.u32 s4;
	[sflag:s5] =	ssyncpa.u1 $0x0;
	s6 =	smul.u32 s6, s7  }
0xe: {  	[sflag:s31] =	ssyncpa.u1 $0x0;
	p0 =	por $0x0, $0x0;
	s10 =	simm.s32 $0x20000  }
0xf: {  	s7 =	sadd.s32 $0xE00, s8;
	s8 =	sadd.s32 $0x40E00, s8;
	s9 =	sadd.s32 $0x1, s6  }
.LBB1_7:
0x10: {  	s16 =	sadd.s32 $0x400, s11  }
0x11: {  	s14 =	sadd.s32 $0x8, s12;
	s18 =	smov.u32 s12;
	p2 =	sgt.s32 s16, $0x3FFF  }
0x12: {  	s18 =	smov.u32 @p2 s14  }
0x13: {  	s16 =	smov.u32 @p2 s4;
	p2 =	sgt.s32 s18, $0x7  }
0x14: {  	s18 =	smov.u32 @p2 s3;
	p2 =	sne.s32 s13, s9  }
.Ltmp1:
0x15: {  	p1 =	slt.u32 s13, $0x2;
	(pc) =	sbr.rel @!p2 .LBB1_8-.Ltmp1, $4  }
0x16: {  	s17 =	simm.s32 @!p1 $0x2  }
0x17: {  	s15 =	smov.u32 s12;
	p0 =	por !p0, !p0;
	_ =	swait.ge @!p1 [sflag:s17], $0x4000  }
0x18: {  	s14 =	smov.u32 s11;
	[sflag:s17] =	ssyncset.done @!p1 $0x0;
	s11 =	smov.u32 s16  }
0x19: {  	s13 =	sadd.s32 $0x1, s13;
	[sflag:s17] =	ssyncadd.s32 @!p1 $0xFFFFC000;
	s12 =	smov.u32 s18  }
.LBB1_1:
0x1a: {  	p1 =	sge.u32 s13, s6  }
0x1b: {  	s16 =	sxor.u32 @!p1 $0xFFFFFFFF, s13;
	s17 =	sshll.u32 @!p1 s12, $0x12  }
0x1c: {  	s18 =	sshll.u32 @!p1 s11, $0x4;
	s20 =	simm.s32 @!p1 $0x40;
	s21 =	simm.s32 @!p1 $0x80  }
0x1d: {  	s16 =	sshll.u32 @!p1 s16, $0xE;
	s18 =	sand.u32 @!p1 $0x3FFF0, s18;
	s19 =	sadd.s32 @!p1 s7, s17  }
0x1e: {  	s17 =	sadd.s32 @!p1 s17, s8;
	s16 =	sand.u32 @!p1 $0x4000, s16;
	s19 =	sadd.s32 @!p1 s18, s19  }
0x1f: {  	[tilespmem:s16], [sflag:$0x1] =	stream.strided.gather @!p1 [hbm4b:s19+s20], $0x2000, s21, s20, $0x38;
	[tilespmem:$0x10100] =	vst v63  }
0x20: {  	s31 =	sadd.s32 $0xFFFFFFFF, s13;
	s17 =	sadd.s32 @!p1 s18, s17;
	s16 =	sor.u32 @!p1 $0x2000, s16  }
0x21: {  	[tilespmem:s16], [sflag:$0x1] =	stream.strided.gather @!p1 [hbm4b:s17+s20], $0x2000, s21, s20, $0x38;
	[tilespmem:$0x10100] =	vst v63  }
0x22: {  	p1 =	sge.u32 s31, s6  }
.Ltmp2:
0x23: {  	_ = 	snop;
	(pc) =	sbr.rel @p1 .LBB1_7-.Ltmp2, $1  }
0x24: {  	_ =	sdelay $0x3  }
0x25: {  	s16 =	simm.s32 $0x1;
	s18 =	sand.u32 $0x1, s13  }
0x26: {  	_ =	swait.ge [sflag:s5], $0x4000;
	s16 =	simm.s32 @!p0 $0x0;
	s18 =	smul.u32 $0x10200, s18  }
0x27: {  	p2 =	por $0x1, $0x1;
	[sflag:s5] =	ssyncset.done $0x0;
	s17 =	smul.u32 $0x10200, s16  }
0x28: {  	s19 =	sshll.u32 s16, $0x10;
	[sflag:s5] =	ssyncadd.s32 $0xFFFFC000;
	s30 =	sshrl.u32 s18, $0x2  }
0x29: {  	s31 =	sshrl.u32 s19, $0x2;
	s19 =	simm.s32 $0x0;
	s17 =	sshrl.u32 s17, $0x2  }
0x2a: {  	s16 =	sor.u32 $0x8000, s30;
	s18 =	sadd.s32 $0x20, s31;
	s17 =	sor.u32 $0x8000, s17  }
.LBB1_3:
0x2b: {  	s20 =	sshll.u32 s19, $0xD  }
0x2c: {  	s20 =	sand.u32 $0x3FFFE000, s20  }
0x2d: {  	s22 =	sadd.s32 s20, s18  }
0x2e: {  	s31 =	smul.u32 $0x8100, s19;
	v3 =	vld [tilespmem:s22+$0x10]  }
0x2f: {  	v1 =	vld [tilespmem:s22+$0xFFFFFFF0]  }
0x30: {  	s19 =	sshra.s32 s31, $0x2;
	v0 =	vld [tilespmem:s22+$0x0]  }
0x31: {  	s19 =	sadd.s32 s19, s17;
	v2 =	vld [tilespmem:s22+$0xFFFFFFE0]  }
0x32: {  	s20 =	sadd.s32 $0x0, s19  }
0x33: {  	p1 =	por p2, p2;
	s21 =	simm.s32 $0x4;
	s22 =	sadd.s32 $0x40, s22;
	[tilespmem:s20+$0x1830 ss:$0x81] =	vst.msk $0xffff, v3  }
.LBB1_4:
0x34: {  	v3 =	vld [tilespmem:s22+$0x10];
	p2 =	sne.s32 s21, $0x1FC;
	[tilespmem:s20+$0x810 ss:$0x81] =	vst.msk $0xffff, v1;
	s23 =	smov.u32 s21;
	s21 =	sadd.s32 $0x4, s21  }
.Ltmp3:
0x35: {  	v1 =	vld [tilespmem:s22+$0xFFFFFFF0];
	[tilespmem:s20+$0x1020 ss:$0x81] =	vst.msk $0xffff, v0;
	(pc) =	sbr.rel @p2 .LBB1_4-.Ltmp3, $4  }
0x36: {  	v0 =	vld [tilespmem:s22+$0x0];
	[tilespmem:s20+$0x0 ss:$0x81] =	vst.msk $0xffff, v2  }
0x37: {  	s20 =	sshra.s32 s23, $0x2;
	v2 =	vld [tilespmem:s22+$0xFFFFFFE0]  }
0x38: {  	s20 =	sadd.s32 s20, s19  }
0x39: {  	s22 =	sadd.s32 $0x40, s22;
	[tilespmem:s20+$0x1830 ss:$0x81] =	vst.msk $0xffff, v3  }
.Ltmp4:
0x3a: {  	(pc) =	sbr.rel @p1 .LBB1_3-.Ltmp4, $4  }
0x3b: {  	_ = 	snop  }
0x3c: {  	[tilespmem:s20+$0x810 ss:$0x81] =	vst.msk $0xffff, v1  }
0x3d: {  	[tilespmem:s20+$0x1020 ss:$0x81] =	vst.msk $0xffff, v0  }
0x3e: {  	s19 =	simm.s32 $0x1;
	p2 =	por $0x0, $0x0;
	[tilespmem:s20+$0x0 ss:$0x81] =	vst.msk $0xffff, v2  }
0x3f: {  	s17 =	sshll.u32 s14, $0x3;
	s18 =	sand.u32 $0x78, s14;
	s15 =	sshll.u32 s15, $0x11  }
.Ltmp5:
0x40: {  	s30 =	sand.u32 $0x1F800, s14;
	s17 =	sand.u32 $0x3C00, s17;
	(pc) =	sbr.rel .LBB1_7-.Ltmp5, $4  }
0x41: {  	s31 =	sand.u32 $0x7, s14;
	s15 =	sadd.s32 s2, s15;
	s17 =	sor.u32 s18, s17  }
0x42: {  	s14 =	sshll.u32 s31, $0x12;
	s15 =	sadd.s32 s30, s15;
	s17 =	sshrl.u32 s17, $0x3  }
0x43: {  	s14 =	sor.u32 $0x400, s14;
	s15 =	sadd.s32 s17, s15  }
0x44: {  	[hbm4b:s15+s14] =	stream.strided.scatter [tilespmem:s16], [sflag:$0x2], $0x4000, s10, s14, $0x20;
	[tilespmem:$0x10100] =	vst v63  }
.LBB1_8:
0x45: {  	_ =	sfence.sel $0x180000  }
0x46: {  	s2 =	simm.s32 $0x1;
	[bflag:$0x0] =	sbarrier.arrive $0xFFFF  }
0x47: {  	s31 =	simm.s32 $0x2;
	[sflag:s2] =	ssyncpa.u1 $0x1  }
0x48: {  	[sflag:s31] =	ssyncpa.u1 $0x1  }
0x49: {  	p0 =	sne.s32 s0, $0x0;
	_ =	strace $0x9000004A  }
0x4a: {  	s0 =	sadd.s32 @!p0 $0x100000, s1;
	[bflag:$0x2] =	sbarrier.arrive $0xFFFF  }
0x4b: {  	[sflag:s0] =	ssyncadd.tile.s32 @!p0 $0x1;
	_ =	shalt  }
.Lfunc_end1:
_tile_overlayer_lowered:
.L_overlay_start_2:
0x4c: {  	(tag) =	ssettag $0x2  }
0x4d: {  	s0 =	rddreg [dreg:$0x0];
	s2 =	stileid.u32  }
0x4e: {  	s1 =	rddreg [dreg:$0x1];
	p0 =	sne.s32 s2, $0x0  }
0x4f: {  	s3 =	rddreg [dreg:$0x2];
	[bflag:$0x3] =	sbarrier.arrive $0xFFFF;
	s2 =	simm.s32 @!p0 $0x1C01  }
0x50: {  	[timem:s3], [sflag:s2] =	dma.local @!p0 [hbm:s0], s1  }
0x51: {  	s0 =	simm.s32 @!p0 $0x1  }
0x52: {  	_ =	swait.ge @!p0 [sflag:s0], s1  }
0x53: {  	s1 =	ssub.s32 @!p0 $0x0, s1;
	[sflag:s0] =	ssyncset.done @!p0 $0x0  }
0x54: {  	[sflag:s0] =	ssyncadd.s32 @!p0 s1  }
0x55: {  	[bflag:$0x3] =	sbarrier.arrive $0xFFFF  }
0x56: {  	_ =	shalt  }

</sc_bundles>
